<compile_context>
chip_gen: v7x
topology: tpu7x:2x2x1
jax: 0.10.2.dev20260603
libtpu: 0.0.44.dev20260713+nightly
codegen_flags: <defaults>
</compile_context>

<pallas_src>
import functools

import jax
import jax.numpy as jnp
from jax import lax
from jax.experimental import pallas as pl
from jax.experimental.pallas import tpu as pltpu
from jax.experimental.pallas import tpu_sc as plsc

N = 1024
NSLOT = 3
SD = 256
B = 4
NNZ = 32768
TLO = (NSLOT - 1) * N

NCORE = 2
NSUB = 16
EPT = NNZ // NSUB
VPB = EPT // 16
ZSL = (N * N) // NSUB
ZCH = 4096
BPC = B // NCORE


def _sc_body(a_hbm, adj_hbm, deg_hbm,
             zeros_v, rc_v, vals_v, idx_v, idxd_v, sval_v,
             adj_sh, deg_sh):
    c = lax.axis_index("c")
    s = lax.axis_index("s")

    def zinit(i, carry):
        zeros_v[pl.ds(i * 16, 16)] = jnp.zeros((16,), jnp.float32)
        return carry
    lax.fori_loop(0, ZCH // 16, zinit, 0)

    for bi in range(BPC):
        b = c * BPC + bi
        def zslice(k, carry):
            pltpu.sync_copy(zeros_v, adj_sh.at[pl.ds(s * ZSL + k * ZCH, ZCH)])
            return carry
        lax.fori_loop(0, ZSL // ZCH, zslice, 0)

        @pl.when(s == 0)
        def _zero_deg():
            pltpu.sync_copy(zeros_v.at[pl.ds(0, N)], deg_sh)

        e0 = s * EPT
        pltpu.sync_copy(a_hbm.at[pl.ds(b, 1), pl.ds(1, 2), pl.ds(e0, EPT)],
                        rc_v)
        pltpu.sync_copy(a_hbm.at[pl.ds(b, 1), pl.ds(0, 1), pl.ds(e0, EPT)],
                        vals_v)

        def step(i, carry):
            kb = i * 16
            r = rc_v[0, 0, pl.ds(kb, 16)].astype(jnp.int32)
            cc = rc_v[0, 1, pl.ds(kb, 16)].astype(jnp.int32)
            v = vals_v[0, 0, pl.ds(kb, 16)]
            m = (cc >= TLO) & (cc < TLO + N)
            col = cc - TLO
            flat = (((r >> 3) << 13) | ((col >> 7) << 10)
                    | ((r & 7) << 7) | (col & 127))
            zi = jnp.zeros((16,), jnp.int32)
            idx_v[pl.ds(kb, 16)] = jnp.where(m, flat, zi)
            idxd_v[pl.ds(kb, 16)] = jnp.where(m, r, zi)
            sval_v[pl.ds(kb, 16)] = jnp.where(m, v, jnp.zeros((16,), jnp.float32))
            return carry
        lax.fori_loop(0, VPB, step, 0)

        plsc.subcore_barrier()

        pltpu.sync_copy(sval_v, adj_sh.at[idx_v], add=True)
        pltpu.sync_copy(sval_v, deg_sh.at[idxd_v], add=True)
        plsc.subcore_barrier()

        pltpu.sync_copy(adj_sh.at[pl.ds(s * ZSL, ZSL)],
                        adj_hbm.at[pl.ds(b * N * N + s * ZSL, ZSL)])

        @pl.when(s == 0)
        def _out_deg():
            pltpu.sync_copy(deg_sh, deg_hbm.at[b])


_sc_scatter = functools.partial(
    pl.kernel,
    out_type=(jax.ShapeDtypeStruct((B * N * N,), jnp.float32),
              jax.ShapeDtypeStruct((B, N), jnp.float32)),
    mesh=plsc.VectorSubcoreMesh(core_axis_name="c", subcore_axis_name="s",
                                num_cores=NCORE, num_subcores=NSUB),
    scratch_types=[
        pltpu.VMEM((ZCH,), jnp.float32),
        pltpu.VMEM((1, 2, EPT), jnp.float32),
        pltpu.VMEM((1, 1, EPT), jnp.float32),
        pltpu.VMEM((EPT,), jnp.int32),
        pltpu.VMEM((EPT,), jnp.int32),
        pltpu.VMEM((EPT,), jnp.float32),
        pltpu.VMEM_SHARED((N * N,), jnp.float32),
        pltpu.VMEM_SHARED((N,), jnp.float32),
    ],
)(_sc_body)


R1 = 512


def _tc1_body(deg_ref, degb_ref, adj_ref, h_ref, hb_ref, wg_ref, bg_ref,
              on_ref):
    dinv = lax.rsqrt(deg_ref[0, 0] + 1.0)
    dinv_b = lax.rsqrt(degb_ref[0, 0] + 1.0)
    hn = h_ref[0] * dinv[:, None]
    hn16 = hn.astype(jnp.bfloat16)
    a4 = adj_ref[0].astype(jnp.bfloat16)
    ah = jnp.zeros((R1, SD), jnp.float32)
    for ct in range(N // 128):
        blk = a4[:, ct].reshape(R1, 128)
        ah = ah + lax.dot_general(blk, hn16[ct * 128:(ct + 1) * 128],
                                  (((1,), (0,)), ((), ())),
                                  preferred_element_type=jnp.float32)
    ah = (ah + hb_ref[0] * dinv_b[:, None]) * dinv_b[:, None]
    z = lax.dot_general(ah, wg_ref[...], (((1,), (1,)), ((), ())),
                        preferred_element_type=jnp.float32)
    z = z + bg_ref[0][None, :]
    out = jnp.maximum(z, 0.0)
    nrm = jnp.sqrt(jnp.sum(out * out, axis=1))
    on_ref[0] = (out / jnp.maximum(nrm, 1e-8)[:, None]).astype(jnp.bfloat16)


_tc1 = pl.pallas_call(
    _tc1_body,
    grid=(B, N // R1),
    in_specs=[
        pl.BlockSpec((1, 1, N), lambda b, rb: (b, 0, 0)),
        pl.BlockSpec((1, 1, R1), lambda b, rb: (b, 0, rb)),
        pl.BlockSpec((1, R1 // 8, 8, 8, 128),
                     lambda b, rb: (b, rb, 0, 0, 0)),
        pl.BlockSpec((1, N, SD), lambda b, rb: (b, 0, 0)),
        pl.BlockSpec((1, R1, SD), lambda b, rb: (b, rb, 0)),
        pl.BlockSpec((SD, SD), lambda b, rb: (0, 0)),
        pl.BlockSpec((1, SD), lambda b, rb: (0, 0)),
    ],
    out_specs=pl.BlockSpec((1, R1, SD), lambda b, rb: (b, rb, 0)),
    out_shape=jax.ShapeDtypeStruct((B, N, SD), jnp.bfloat16),
    compiler_params=pltpu.CompilerParams(
        dimension_semantics=("parallel", "parallel")),
)


RG = 512


def _tc2a_body(wo_ref, on_ref, g_ref):
    g = lax.dot_general(wo_ref[...], on_ref[0], (((1,), (0,)), ((), ())),
                        preferred_element_type=jnp.float32)
    g_ref[0] = g.astype(jnp.bfloat16)


_tc2a = pl.pallas_call(
    _tc2a_body,
    grid=(B, N // RG),
    in_specs=[
        pl.BlockSpec((RG, N), lambda b, rb: (rb, 0)),
        pl.BlockSpec((1, N, SD), lambda b, rb: (b, 0, 0)),
    ],
    out_specs=pl.BlockSpec((1, RG, SD), lambda b, rb: (b, rb, 0)),
    out_shape=jax.ShapeDtypeStruct((B, N, SD), jnp.bfloat16),
    compiler_params=pltpu.CompilerParams(
        dimension_semantics=("parallel", "parallel")),
)


R2 = 512


def _tc2_body(onb_ref, g_ref, bo_ref, out_ref):
    logits = lax.dot_general(onb_ref[0], g_ref[0], (((1,), (1,)), ((), ())),
                             preferred_element_type=jnp.float32)
    logits = logits + bo_ref[0][None, :]
    out_ref[0] = 1.0 / (1.0 + jnp.exp(-logits))


_tc2 = pl.pallas_call(
    _tc2_body,
    grid=(B, N // R2),
    in_specs=[
        pl.BlockSpec((1, R2, SD), lambda b, rb: (b, rb, 0)),
        pl.BlockSpec((1, N, SD), lambda b, rb: (b, 0, 0)),
        pl.BlockSpec((1, N), lambda b, rb: (0, 0)),
    ],
    out_specs=pl.BlockSpec((1, R2, N), lambda b, rb: (b, rb, 0)),
    out_shape=jax.ShapeDtypeStruct((B, N, N), jnp.float32),
    compiler_params=pltpu.CompilerParams(
        dimension_semantics=("parallel", "parallel")),
)


def kernel(prop_state, annotation, A, W_gcn, b_gcn, W_out, b_out):
    del annotation
    adj_flat, deg = _sc_scatter(A[:, 0])
    adj = adj_flat.reshape(B, N // 8, 8, 8, 128)
    deg3 = deg.reshape(B, 1, N)
    h = prop_state[:, :, NSLOT - 1]
    on = _tc1(deg3, deg3, adj, h, h, W_gcn, b_gcn.reshape(1, SD))
    g = _tc2a(W_out.astype(jnp.bfloat16), on)
    return _tc2(on, g, b_out.reshape(1, N))

# --- scband reference (transcript-rebuilt; emitter-appended) ---
"""Pipeline reference for scband-gcn-44023414784021 (READ-ONLY COPY).

The authoritative reference and input builder live on the scoring server;
editing this copy changes nothing except your own understanding.
"""

import jax, jax.numpy as jnp
import numpy as np

ALL_NODE_NUM = 1024
L = 3
STATE_DIM = 256
ANNOT_DIM = 64
BATCH = 4
MAX_NNZ = 32768


def setup_inputs(seed: int = 0):
    key = jax.random.key(seed)
    k1, k2, k3, k4, k5, k6 = jax.random.split(key, 6)
    prop_state = jax.random.normal(k1, (BATCH, ALL_NODE_NUM, L, STATE_DIM), dtype=jnp.float32)
    annotation = jax.random.normal(k2, (BATCH, ALL_NODE_NUM, L, ANNOT_DIM), dtype=jnp.float32)
    # A[b,0] = [vals; row; col], col offset into time slot t = L-1; A[b,1] unused by forward
    row = jax.random.randint(k3, (BATCH, MAX_NNZ), 0, ALL_NODE_NUM)
    col = jax.random.randint(k4, (BATCH, MAX_NNZ), 0, ALL_NODE_NUM) + (L - 1) * ALL_NODE_NUM
    vals = jnp.ones((BATCH, MAX_NNZ), dtype=jnp.float32)
    A0 = jnp.stack([vals, row.astype(jnp.float32), col.astype(jnp.float32)], axis=1)  # (B,3,nnz)
    A = jnp.stack([A0, jnp.zeros_like(A0)], axis=1)  # (B,2,3,nnz)
    W_gcn = jax.random.normal(k5, (STATE_DIM, STATE_DIM), dtype=jnp.float32) * 0.02
    b_gcn = jnp.zeros((STATE_DIM,), dtype=jnp.float32)
    W_out = jax.random.normal(k6, (ALL_NODE_NUM, ALL_NODE_NUM), dtype=jnp.float32) * 0.02
    b_out = jnp.zeros((ALL_NODE_NUM,), dtype=jnp.float32)
    return {"prop_state": prop_state, "annotation": annotation, "A": A,
            "W_gcn": W_gcn, "b_gcn": b_gcn, "W_out": W_out, "b_out": b_out}


def _normalized_adj_dense(vals, row, col):
    # normalize_adj: add identity, degree-normalize (di*dj)^-1/2.
    # Dynamic-shape masking (nnz truncation + time-slot select) is realized as a
    # multiplicative 0/1 weight on vals, which is mathematically identical.
    N = ALL_NODE_NUM
    t = L - 1
    in_t = ((col >= t * N) & (col < (t + 1) * N)).astype(vals.dtype)
    v = vals * in_t
    c = jnp.mod(col, N)
    adj = jnp.zeros((N, N), dtype=jnp.float32).at[row, c].add(v)
    adj = adj + jnp.eye(N, dtype=jnp.float32)
    deg = jnp.sum(adj, axis=1)
    dinv = 1.0 / jnp.sqrt(deg)
    return adj * dinv[:, None] * dinv[None, :]


def _sim_matrix(a, b, eps=1e-08):
    a_n = jnp.linalg.norm(a, axis=1)[:, None]
    b_n = jnp.linalg.norm(b, axis=1)[:, None]
    a_norm = a / jnp.maximum(a_n, eps * jnp.ones_like(a_n))
    b_norm = b / jnp.maximum(b_n, eps * jnp.ones_like(b_n))
    return a_norm @ b_norm.T


def reference(prop_state, annotation, A, W_gcn, b_gcn, W_out, b_out):
    vals = A[:, 0, 0]
    row = A[:, 0, 1].astype(jnp.int32)
    col = A[:, 0, 2].astype(jnp.int32)
    A_hat = jax.vmap(_normalized_adj_dense)(vals, row, col)  # (B,N,N)
    h = prop_state[:, :, -1]                                  # (B,N,state_dim)
    AH = jnp.einsum('bij,bjd->bid', A_hat, h)
    AHW = AH @ W_gcn.T + b_gcn
    out = jax.nn.relu(AHW)
    sim = jax.vmap(_sim_matrix)(out, out)                     # (B,N,N)
    output = jax.nn.sigmoid(sim @ W_out.T + b_out)
    return output

if __name__ == "__main__":
    import jax
    _d = setup_inputs()
    print(jax.jit(kernel)(*tuple(_d.values())))

</pallas_src>

<mosaic_0001>
#map = affine_map<(d0, d1) -> (0, 0, 0)>
#map1 = affine_map<(d0, d1) -> (0)>
#map2 = affine_map<(d0, d1) -> (0, 0)>
module attributes {stable_mosaic.version = 14 : i64} {
  func.func @_sc_body(%arg0: i32, %arg1: i32, %arg2: memref<4x3x32768xf32, #tpu.memory_space<hbm>>, %arg3: memref<4194304xf32, #tpu.memory_space<hbm>>, %arg4: memref<4x1024xf32, #tpu.memory_space<hbm>>, %arg5: memref<4096xf32, #tpu.memory_space<vmem>>, %arg6: memref<1x2x2048xf32, #tpu.memory_space<vmem>>, %arg7: memref<1x1x2048xf32, #tpu.memory_space<vmem>>, %arg8: memref<2048xi32, #tpu.memory_space<vmem>>, %arg9: memref<2048xi32, #tpu.memory_space<vmem>>, %arg10: memref<2048xf32, #tpu.memory_space<vmem>>, %arg11: memref<1048576xf32, #tpu.memory_space<vmem_shared>>, %arg12: memref<1024xf32, #tpu.memory_space<vmem_shared>>) attributes {dimension_semantics = [#tpu.dimension_semantics<core_parallel>, #tpu.dimension_semantics<subcore_parallel>], iteration_bounds = array<i64: 2, 16>, scalar_prefetch = 0 : i64, scratch_operands = 8 : i64, tpu.core_type = #tpu.core_type<sc_vector_subcore>, window_params = [{transform_indices = #map}, {transform_indices = #map1}, {transform_indices = #map2}]} {
    %scan3A = arith.constant 0 : i32
    %scan3A_0 = arith.constant 0 : i32
    %scan3A_1 = arith.constant 256 : i32
    %scan3A_2 = arith.addi %scan3A_0, %scan3A_1 : i32
    %scan3A_3 = arith.constant 1 : i32
    scf.for %scan3A_77 = %scan3A_0 to %scan3A_2 step %scan3A_3  : i32 {
      %broadcast_in_dim3A = arith.constant 0.000000e+00 : f32
      %broadcast_in_dim3A_78 = vector.broadcast %broadcast_in_dim3A : f32 to vector<16xf32>
      %mul3A_79 = arith.constant 16 : i32
      %mul3A_80 = arith.muli %scan3A_77, %mul3A_79 : i32
      %swap3A = arith.index_cast %mul3A_80 : i32 to index
      %swap3A_81 = tpu.vector_load %arg5[%swap3A] {strides = array<i32>} : memref<4096xf32, #tpu.memory_space<vmem>>, vector<16xf32>,
      %swap3A_82 = vector.shape_cast %swap3A_81 : vector<16xf32> to vector<16xf32>
      %swap3A_83 = vector.shape_cast %broadcast_in_dim3A_78 : vector<16xf32> to vector<16xf32>
      tpu.vector_store %arg5[%swap3A], %swap3A_83 {strides = array<i32>} : memref<4096xf32, #tpu.memory_space<vmem>>, vector<16xf32>,
    }
    %scan3A_4 = arith.constant 256 : i32
    %mul3A = arith.constant 2 : i32
    %mul3A_5 = arith.muli %arg0, %mul3A : i32
    %add3A = arith.constant 0 : i32
    %add3A_6 = arith.addi %mul3A_5, %add3A : i32
    %scan3A_7 = arith.constant 0 : i32
    %scan3A_8 = arith.constant 0 : i32
    %scan3A_9 = arith.constant 16 : i32
    %scan3A_10 = arith.addi %scan3A_8, %scan3A_9 : i32
    %scan3A_11 = arith.constant 1 : i32
    scf.for %scan3A_77 = %scan3A_8 to %scan3A_10 step %scan3A_11  : i32 {
      %mul3A_78 = arith.constant 65536 : i32
      %mul3A_79 = arith.muli %arg1, %mul3A_78 : i32
      %mul3A_80 = arith.constant 4096 : i32
      %mul3A_81 = arith.muli %scan3A_77, %mul3A_80 : i32
      %add3A_82 = arith.addi %mul3A_79, %mul3A_81 : i32
      "tpu.region"() ({
        %run_scoped3A = tpu.sem_alloc : memref<!tpu.dma_semaphore, #tpu.memory_space<semaphore_mem>>
        %dma_start3A = tpu.memref_slice %arg11[%add3A_82] : memref<1048576xf32, #tpu.memory_space<vmem_shared>> -> memref<4096xf32, #tpu.memory_space<vmem_shared>>
        %dma_start3A_83 = tpu.memref_slice %arg11[%add3A_82] : memref<1048576xf32, #tpu.memory_space<vmem_shared>> -> memref<4096xf32, #tpu.memory_space<vmem_shared>>
        tpu.enqueue_dma source(%arg5 : memref<4096xf32, #tpu.memory_space<vmem>>) target(%dma_start3A_83 : memref<4096xf32, #tpu.memory_space<vmem_shared>>) target_semaphore(%run_scoped3A : memref<!tpu.dma_semaphore, #tpu.memory_space<semaphore_mem>>)
        %dma_wait3A = tpu.memref_slice %arg11[%add3A_82] : memref<1048576xf32, #tpu.memory_space<vmem_shared>> -> memref<4096xf32, #tpu.memory_space<vmem_shared>>
        %dma_wait3A_84 = tpu.memref_slice %arg11[%add3A_82] : memref<1048576xf32, #tpu.memory_space<vmem_shared>> -> memref<4096xf32, #tpu.memory_space<vmem_shared>>
        tpu.wait_dma2 semaphore(%run_scoped3A : memref<!tpu.dma_semaphore, #tpu.memory_space<semaphore_mem>>) src(%arg5 : memref<4096xf32, #tpu.memory_space<vmem>>) dst(%dma_wait3A_84 : memref<4096xf32, #tpu.memory_space<vmem_shared>>)
        tpu.yield
      }) : () -> ()
    }
    %scan3A_12 = arith.constant 16 : i32
    %eq3A = arith.constant 0 : i32
    %eq3A_13 = arith.cmpi eq, %arg1, %eq3A : i32
    %convert_element_type3A = arith.extui %eq3A_13 : i1 to i32
    %cond3A = arith.constant 0 : i32
    %cond3A_14 = arith.cmpi ne, %convert_element_type3A, %cond3A : i32
    scf.if %cond3A_14 {
      "tpu.region"() ({
        %run_scoped3A = tpu.sem_alloc : memref<!tpu.dma_semaphore, #tpu.memory_space<semaphore_mem>>
        %dma_start3A = arith.constant 0 : i32
        %dma_start3A_77 = tpu.memref_slice %arg5[%dma_start3A] : memref<4096xf32, #tpu.memory_space<vmem>> -> memref<1024xf32, #tpu.memory_space<vmem>>
        %dma_start3A_78 = arith.constant 0 : i32
        %dma_start3A_79 = tpu.memref_slice %arg5[%dma_start3A_78] : memref<4096xf32, #tpu.memory_space<vmem>> -> memref<1024xf32, #tpu.memory_space<vmem>>
        tpu.enqueue_dma source(%dma_start3A_79 : memref<1024xf32, #tpu.memory_space<vmem>>) target(%arg12 : memref<1024xf32, #tpu.memory_space<vmem_shared>>) target_semaphore(%run_scoped3A : memref<!tpu.dma_semaphore, #tpu.memory_space<semaphore_mem>>)
        %dma_wait3A = arith.constant 0 : i32
        %dma_wait3A_80 = tpu.memref_slice %arg5[%dma_wait3A] : memref<4096xf32, #tpu.memory_space<vmem>> -> memref<1024xf32, #tpu.memory_space<vmem>>
        %dma_wait3A_81 = arith.constant 0 : i32
        %dma_wait3A_82 = tpu.memref_slice %arg5[%dma_wait3A_81] : memref<4096xf32, #tpu.memory_space<vmem>> -> memref<1024xf32, #tpu.memory_space<vmem>>
        tpu.wait_dma2 semaphore(%run_scoped3A : memref<!tpu.dma_semaphore, #tpu.memory_space<semaphore_mem>>) src(%dma_wait3A_82 : memref<1024xf32, #tpu.memory_space<vmem>>) dst(%arg12 : memref<1024xf32, #tpu.memory_space<vmem_shared>>)
        tpu.yield
      }) : () -> ()
    } else {
    }
    %mul3A_15 = arith.constant 2048 : i32
    %mul3A_16 = arith.muli %arg1, %mul3A_15 : i32
    "tpu.region"() ({
      %run_scoped3A = tpu.sem_alloc : memref<!tpu.dma_semaphore, #tpu.memory_space<semaphore_mem>>
      %dma_start3A = arith.constant 1 : i32
      %dma_start3A_77 = tpu.memref_slice %arg2[%add3A_6, %dma_start3A, %mul3A_16] : memref<4x3x32768xf32, #tpu.memory_space<hbm>> -> memref<1x2x2048xf32, #tpu.memory_space<hbm>>
      %dma_start3A_78 = arith.constant 1 : i32
      %dma_start3A_79 = tpu.memref_slice %arg2[%add3A_6, %dma_start3A_78, %mul3A_16] : memref<4x3x32768xf32, #tpu.memory_space<hbm>> -> memref<1x2x2048xf32, #tpu.memory_space<hbm>>
      tpu.enqueue_dma source(%dma_start3A_79 : memref<1x2x2048xf32, #tpu.memory_space<hbm>>) target(%arg6 : memref<1x2x2048xf32, #tpu.memory_space<vmem>>) target_semaphore(%run_scoped3A : memref<!tpu.dma_semaphore, #tpu.memory_space<semaphore_mem>>)
      %dma_wait3A = arith.constant 1 : i32
      %dma_wait3A_80 = tpu.memref_slice %arg2[%add3A_6, %dma_wait3A, %mul3A_16] : memref<4x3x32768xf32, #tpu.memory_space<hbm>> -> memref<1x2x2048xf32, #tpu.memory_space<hbm>>
      %dma_wait3A_81 = arith.constant 1 : i32
      %dma_wait3A_82 = tpu.memref_slice %arg2[%add3A_6, %dma_wait3A_81, %mul3A_16] : memref<4x3x32768xf32, #tpu.memory_space<hbm>> -> memref<1x2x2048xf32, #tpu.memory_space<hbm>>
      tpu.wait_dma2 semaphore(%run_scoped3A : memref<!tpu.dma_semaphore, #tpu.memory_space<semaphore_mem>>) src(%dma_wait3A_82 : memref<1x2x2048xf32, #tpu.memory_space<hbm>>) dst(%arg6 : memref<1x2x2048xf32, #tpu.memory_space<vmem>>)
      tpu.yield
    }) : () -> ()
    "tpu.region"() ({
      %run_scoped3A = tpu.sem_alloc : memref<!tpu.dma_semaphore, #tpu.memory_space<semaphore_mem>>
      %dma_start3A = arith.constant 0 : i32
      %dma_start3A_77 = tpu.memref_slice %arg2[%add3A_6, %dma_start3A, %mul3A_16] : memref<4x3x32768xf32, #tpu.memory_space<hbm>> -> memref<1x1x2048xf32, #tpu.memory_space<hbm>>
      %dma_start3A_78 = arith.constant 0 : i32
      %dma_start3A_79 = tpu.memref_slice %arg2[%add3A_6, %dma_start3A_78, %mul3A_16] : memref<4x3x32768xf32, #tpu.memory_space<hbm>> -> memref<1x1x2048xf32, #tpu.memory_space<hbm>>
      tpu.enqueue_dma source(%dma_start3A_79 : memref<1x1x2048xf32, #tpu.memory_space<hbm>>) target(%arg7 : memref<1x1x2048xf32, #tpu.memory_space<vmem>>) target_semaphore(%run_scoped3A : memref<!tpu.dma_semaphore, #tpu.memory_space<semaphore_mem>>)
      %dma_wait3A = arith.constant 0 : i32
      %dma_wait3A_80 = tpu.memref_slice %arg2[%add3A_6, %dma_wait3A, %mul3A_16] : memref<4x3x32768xf32, #tpu.memory_space<hbm>> -> memref<1x1x2048xf32, #tpu.memory_space<hbm>>
      %dma_wait3A_81 = arith.constant 0 : i32
      %dma_wait3A_82 = tpu.memref_slice %arg2[%add3A_6, %dma_wait3A_81, %mul3A_16] : memref<4x3x32768xf32, #tpu.memory_space<hbm>> -> memref<1x1x2048xf32, #tpu.memory_space<hbm>>
      tpu.wait_dma2 semaphore(%run_scoped3A : memref<!tpu.dma_semaphore, #tpu.memory_space<semaphore_mem>>) src(%dma_wait3A_82 : memref<1x1x2048xf32, #tpu.memory_space<hbm>>) dst(%arg7 : memref<1x1x2048xf32, #tpu.memory_space<vmem>>)
      tpu.yield
    }) : () -> ()
    %scan3A_17 = arith.constant 0 : i32
    %scan3A_18 = arith.constant 0 : i32
    %scan3A_19 = arith.constant 128 : i32
    %scan3A_20 = arith.addi %scan3A_18, %scan3A_19 : i32
    %scan3A_21 = arith.constant 1 : i32
    scf.for %scan3A_77 = %scan3A_18 to %scan3A_20 step %scan3A_21  : i32 {
      %mul3A_78 = arith.constant 16 : i32
      %mul3A_79 = arith.muli %scan3A_77, %mul3A_78 : i32
      %get3A = arith.constant 0 : i32
      %get3A_80 = arith.constant 0 : i32
      %get3A_81 = arith.index_cast %get3A : i32 to index
      %get3A_82 = arith.index_cast %get3A_80 : i32 to index
      %get3A_83 = arith.index_cast %mul3A_79 : i32 to index
      %get3A_84 = tpu.vector_load %arg6[%get3A_81, %get3A_82, %get3A_83] {strides = array<i32>} : memref<1x2x2048xf32, #tpu.memory_space<vmem>>, vector<1x1x16xf32>,
      %get3A_85 = vector.shape_cast %get3A_84 : vector<1x1x16xf32> to vector<16xf32>
      %convert_element_type3A_86 = arith.fptosi %get3A_85 : vector<16xf32> to vector<16xi32>
      %get3A_87 = arith.constant 0 : i32
      %get3A_88 = arith.constant 1 : i32
      %get3A_89 = arith.index_cast %get3A_87 : i32 to index
      %get3A_90 = arith.index_cast %get3A_88 : i32 to index
      %get3A_91 = arith.index_cast %mul3A_79 : i32 to index
      %get3A_92 = tpu.vector_load %arg6[%get3A_89, %get3A_90, %get3A_91] {strides = array<i32>} : memref<1x2x2048xf32, #tpu.memory_space<vmem>>, vector<1x1x16xf32>,
      %get3A_93 = vector.shape_cast %get3A_92 : vector<1x1x16xf32> to vector<16xf32>
      %convert_element_type3A_94 = arith.fptosi %get3A_93 : vector<16xf32> to vector<16xi32>
      %get3A_95 = arith.constant 0 : i32
      %get3A_96 = arith.constant 0 : i32
      %get3A_97 = arith.index_cast %get3A_95 : i32 to index
      %get3A_98 = arith.index_cast %get3A_96 : i32 to index
      %get3A_99 = arith.index_cast %mul3A_79 : i32 to index
      %get3A_100 = tpu.vector_load %arg7[%get3A_97, %get3A_98, %get3A_99] {strides = array<i32>} : memref<1x1x2048xf32, #tpu.memory_space<vmem>>, vector<1x1x16xf32>,
      %get3A_101 = vector.shape_cast %get3A_100 : vector<1x1x16xf32> to vector<16xf32>
      %ge3A = arith.constant 2048 : i32
      %ge3A_102 = vector.broadcast %ge3A : i32 to vector<16xi32>
      %ge3A_103 = arith.cmpi sge, %convert_element_type3A_94, %ge3A_102 : vector<16xi32>
      %lt3A = arith.constant 3072 : i32
      %lt3A_104 = vector.broadcast %lt3A : i32 to vector<16xi32>
      %lt3A_105 = arith.cmpi slt, %convert_element_type3A_94, %lt3A_104 : vector<16xi32>
      %and3A = arith.andi %ge3A_103, %lt3A_105 : vector<16xi1>
      %sub3A = arith.constant 2048 : i32
      %sub3A_106 = vector.broadcast %sub3A : i32 to vector<16xi32>
      %sub3A_107 = arith.subi %convert_element_type3A_94, %sub3A_106 : vector<16xi32>
      %shift_right_arithmetic3A = arith.constant 3 : i32
      %shift_right_arithmetic3A_108 = vector.broadcast %shift_right_arithmetic3A : i32 to vector<16xi32>
      %shift_right_arithmetic3A_109 = arith.shrsi %convert_element_type3A_86, %shift_right_arithmetic3A_108 : vector<16xi32>
      %shift_left3A = arith.constant 13 : i32
      %shift_left3A_110 = vector.broadcast %shift_left3A : i32 to vector<16xi32>
      %shift_left3A_111 = arith.shli %shift_right_arithmetic3A_109, %shift_left3A_110 : vector<16xi32>
      %shift_right_arithmetic3A_112 = arith.constant 7 : i32
      %shift_right_arithmetic3A_113 = vector.broadcast %shift_right_arithmetic3A_112 : i32 to vector<16xi32>
      %shift_right_arithmetic3A_114 = arith.shrsi %sub3A_107, %shift_right_arithmetic3A_113 : vector<16xi32>
      %shift_left3A_115 = arith.constant 10 : i32
      %shift_left3A_116 = vector.broadcast %shift_left3A_115 : i32 to vector<16xi32>
      %shift_left3A_117 = arith.shli %shift_right_arithmetic3A_114, %shift_left3A_116 : vector<16xi32>
      %or3A = arith.ori %shift_left3A_111, %shift_left3A_117 : vector<16xi32>
      %and3A_118 = arith.constant 7 : i32
      %and3A_119 = vector.broadcast %and3A_118 : i32 to vector<16xi32>
      %and3A_120 = arith.andi %convert_element_type3A_86, %and3A_119 : vector<16xi32>
      %shift_left3A_121 = arith.constant 7 : i32
      %shift_left3A_122 = vector.broadcast %shift_left3A_121 : i32 to vector<16xi32>
      %shift_left3A_123 = arith.shli %and3A_120, %shift_left3A_122 : vector<16xi32>
      %or3A_124 = arith.ori %or3A, %shift_left3A_123 : vector<16xi32>
      %and3A_125 = arith.constant 127 : i32
      %and3A_126 = vector.broadcast %and3A_125 : i32 to vector<16xi32>
      %and3A_127 = arith.andi %sub3A_107, %and3A_126 : vector<16xi32>
      %or3A_128 = arith.ori %or3A_124, %and3A_127 : vector<16xi32>
      %broadcast_in_dim3A = arith.constant 0 : i32
      %broadcast_in_dim3A_129 = vector.broadcast %broadcast_in_dim3A : i32 to vector<16xi32>
      %select_n3A = arith.select %and3A, %or3A_128, %broadcast_in_dim3A_129 : vector<16xi1>, vector<16xi32>
      %swap3A = arith.index_cast %mul3A_79 : i32 to index
      %swap3A_130 = tpu.vector_load %arg8[%swap3A] {strides = array<i32>} : memref<2048xi32, #tpu.memory_space<vmem>>, vector<16xi32>,
      %swap3A_131 = vector.shape_cast %swap3A_130 : vector<16xi32> to vector<16xi32>
      %swap3A_132 = vector.shape_cast %select_n3A : vector<16xi32> to vector<16xi32>
      tpu.vector_store %arg8[%swap3A], %swap3A_132 {strides = array<i32>} : memref<2048xi32, #tpu.memory_space<vmem>>, vector<16xi32>,
      %select_n3A_133 = arith.select %and3A, %convert_element_type3A_86, %broadcast_in_dim3A_129 : vector<16xi1>, vector<16xi32>
      %swap3A_134 = arith.index_cast %mul3A_79 : i32 to index
      %swap3A_135 = tpu.vector_load %arg9[%swap3A_134] {strides = array<i32>} : memref<2048xi32, #tpu.memory_space<vmem>>, vector<16xi32>,
      %swap3A_136 = vector.shape_cast %swap3A_135 : vector<16xi32> to vector<16xi32>
      %swap3A_137 = vector.shape_cast %select_n3A_133 : vector<16xi32> to vector<16xi32>
      tpu.vector_store %arg9[%swap3A_134], %swap3A_137 {strides = array<i32>} : memref<2048xi32, #tpu.memory_space<vmem>>, vector<16xi32>,
      %broadcast_in_dim3A_138 = arith.constant 0.000000e+00 : f32
      %broadcast_in_dim3A_139 = vector.broadcast %broadcast_in_dim3A_138 : f32 to vector<16xf32>
      %select_n3A_140 = arith.select %and3A, %get3A_101, %broadcast_in_dim3A_139 : vector<16xi1>, vector<16xf32>
      %swap3A_141 = arith.index_cast %mul3A_79 : i32 to index
      %swap3A_142 = tpu.vector_load %arg10[%swap3A_141] {strides = array<i32>} : memref<2048xf32, #tpu.memory_space<vmem>>, vector<16xf32>,
      %swap3A_143 = vector.shape_cast %swap3A_142 : vector<16xf32> to vector<16xf32>
      %swap3A_144 = vector.shape_cast %select_n3A_140 : vector<16xf32> to vector<16xf32>
      tpu.vector_store %arg10[%swap3A_141], %swap3A_144 {strides = array<i32>} : memref<2048xf32, #tpu.memory_space<vmem>>, vector<16xf32>,
    }
    %scan3A_22 = arith.constant 128 : i32
    %barrier3A = arith.constant 0 : index
    tpu.barrier barrier_id(%barrier3A)
    "tpu.region"() ({
      %run_scoped3A = tpu.sem_alloc : memref<!tpu.dma_semaphore, #tpu.memory_space<semaphore_mem>>
      %dma_start3A = arith.constant 0 : i32
      %dma_start3A_77 = tpu.memref_slice %arg11[%dma_start3A] : memref<1048576xf32, #tpu.memory_space<vmem_shared>> -> memref<1048576xf32, #tpu.memory_space<vmem_shared>>
      tpu.enqueue_indirect_dma source(%arg10 : memref<2048xf32, #tpu.memory_space<vmem>>) target(%dma_start3A_77 : memref<1048576xf32, #tpu.memory_space<vmem_shared>>) offsets(%arg8 : memref<2048xi32, #tpu.memory_space<vmem>>) semaphore(%run_scoped3A : memref<!tpu.dma_semaphore, #tpu.memory_space<semaphore_mem>>) {add = true}
      %dma_wait3A = arith.constant 0 : i32
      %dma_wait3A_78 = tpu.memref_slice %arg11[%dma_wait3A] : memref<1048576xf32, #tpu.memory_space<vmem_shared>> -> memref<1048576xf32, #tpu.memory_space<vmem_shared>>
      tpu.wait_indirect_dma semaphore(%run_scoped3A : memref<!tpu.dma_semaphore, #tpu.memory_space<semaphore_mem>>) src(%arg10 : memref<2048xf32, #tpu.memory_space<vmem>>) dst(%dma_wait3A_78 : memref<1048576xf32, #tpu.memory_space<vmem_shared>>)
      tpu.yield
    }) : () -> ()
    "tpu.region"() ({
      %run_scoped3A = tpu.sem_alloc : memref<!tpu.dma_semaphore, #tpu.memory_space<semaphore_mem>>
      %dma_start3A = arith.constant 0 : i32
      %dma_start3A_77 = tpu.memref_slice %arg12[%dma_start3A] : memref<1024xf32, #tpu.memory_space<vmem_shared>> -> memref<1024xf32, #tpu.memory_space<vmem_shared>>
      tpu.enqueue_indirect_dma source(%arg10 : memref<2048xf32, #tpu.memory_space<vmem>>) target(%dma_start3A_77 : memref<1024xf32, #tpu.memory_space<vmem_shared>>) offsets(%arg9 : memref<2048xi32, #tpu.memory_space<vmem>>) semaphore(%run_scoped3A : memref<!tpu.dma_semaphore, #tpu.memory_space<semaphore_mem>>) {add = true}
      %dma_wait3A = arith.constant 0 : i32
      %dma_wait3A_78 = tpu.memref_slice %arg12[%dma_wait3A] : memref<1024xf32, #tpu.memory_space<vmem_shared>> -> memref<1024xf32, #tpu.memory_space<vmem_shared>>
      tpu.wait_indirect_dma semaphore(%run_scoped3A : memref<!tpu.dma_semaphore, #tpu.memory_space<semaphore_mem>>) src(%arg10 : memref<2048xf32, #tpu.memory_space<vmem>>) dst(%dma_wait3A_78 : memref<1024xf32, #tpu.memory_space<vmem_shared>>)
      tpu.yield
    }) : () -> ()
    %barrier3A_23 = arith.constant 0 : index
    tpu.barrier barrier_id(%barrier3A_23)
    %mul3A_24 = arith.constant 65536 : i32
    %mul3A_25 = arith.muli %arg1, %mul3A_24 : i32
    %mul3A_26 = arith.constant 1024 : i32
    %mul3A_27 = arith.muli %add3A_6, %mul3A_26 : i32
    %mul3A_28 = arith.constant 1024 : i32
    %mul3A_29 = arith.muli %mul3A_27, %mul3A_28 : i32
    %mul3A_30 = arith.constant 65536 : i32
    %mul3A_31 = arith.muli %arg1, %mul3A_30 : i32
    %add3A_32 = arith.addi %mul3A_29, %mul3A_31 : i32
    "tpu.region"() ({
      %run_scoped3A = tpu.sem_alloc : memref<!tpu.dma_semaphore, #tpu.memory_space<semaphore_mem>>
      %dma_start3A = tpu.memref_slice %arg3[%add3A_32] : memref<4194304xf32, #tpu.memory_space<hbm>> -> memref<65536xf32, #tpu.memory_space<hbm>>
      %dma_start3A_77 = tpu.memref_slice %arg11[%mul3A_25] : memref<1048576xf32, #tpu.memory_space<vmem_shared>> -> memref<65536xf32, #tpu.memory_space<vmem_shared>>
      tpu.enqueue_dma source(%dma_start3A_77 : memref<65536xf32, #tpu.memory_space<vmem_shared>>) target(%dma_start3A : memref<65536xf32, #tpu.memory_space<hbm>>) target_semaphore(%run_scoped3A : memref<!tpu.dma_semaphore, #tpu.memory_space<semaphore_mem>>)
      %dma_wait3A = tpu.memref_slice %arg3[%add3A_32] : memref<4194304xf32, #tpu.memory_space<hbm>> -> memref<65536xf32, #tpu.memory_space<hbm>>
      %dma_wait3A_78 = tpu.memref_slice %arg11[%mul3A_25] : memref<1048576xf32, #tpu.memory_space<vmem_shared>> -> memref<65536xf32, #tpu.memory_space<vmem_shared>>
      tpu.wait_dma2 semaphore(%run_scoped3A : memref<!tpu.dma_semaphore, #tpu.memory_space<semaphore_mem>>) src(%dma_wait3A_78 : memref<65536xf32, #tpu.memory_space<vmem_shared>>) dst(%dma_wait3A : memref<65536xf32, #tpu.memory_space<hbm>>)
      tpu.yield
    }) : () -> ()
    %eq3A_33 = arith.constant 0 : i32
    %eq3A_34 = arith.cmpi eq, %arg1, %eq3A_33 : i32
    %convert_element_type3A_35 = arith.extui %eq3A_34 : i1 to i32
    %cond3A_36 = arith.constant 0 : i32
    %cond3A_37 = arith.cmpi ne, %convert_element_type3A_35, %cond3A_36 : i32
    scf.if %cond3A_37 {
      "tpu.region"() ({
        %run_scoped3A = tpu.sem_alloc : memref<!tpu.dma_semaphore, #tpu.memory_space<semaphore_mem>>
        %dma_start3A = arith.constant 0 : i32
        %dma_start3A_77 = tpu.memref_slice %arg4[%add3A_6, %dma_start3A] : memref<4x1024xf32, #tpu.memory_space<hbm>> -> memref<1x1024xf32, #tpu.memory_space<hbm>>
        %dma_start3A_78 = tpu.memref_squeeze %dma_start3A_77 : memref<1x1024xf32, #tpu.memory_space<hbm>> -> memref<1024xf32, #tpu.memory_space<hbm>>
        tpu.enqueue_dma source(%arg12 : memref<1024xf32, #tpu.memory_space<vmem_shared>>) target(%dma_start3A_78 : memref<1024xf32, #tpu.memory_space<hbm>>) target_semaphore(%run_scoped3A : memref<!tpu.dma_semaphore, #tpu.memory_space<semaphore_mem>>)
        %dma_wait3A = arith.constant 0 : i32
        %dma_wait3A_79 = tpu.memref_slice %arg4[%add3A_6, %dma_wait3A] : memref<4x1024xf32, #tpu.memory_space<hbm>> -> memref<1x1024xf32, #tpu.memory_space<hbm>>
        %dma_wait3A_80 = tpu.memref_squeeze %dma_wait3A_79 : memref<1x1024xf32, #tpu.memory_space<hbm>> -> memref<1024xf32, #tpu.memory_space<hbm>>
        tpu.wait_dma2 semaphore(%run_scoped3A : memref<!tpu.dma_semaphore, #tpu.memory_space<semaphore_mem>>) src(%arg12 : memref<1024xf32, #tpu.memory_space<vmem_shared>>) dst(%dma_wait3A_80 : memref<1024xf32, #tpu.memory_space<hbm>>)
        tpu.yield
      }) : () -> ()
    } else {
    }
    %mul3A_38 = arith.constant 2 : i32
    %mul3A_39 = arith.muli %arg0, %mul3A_38 : i32
    %add3A_40 = arith.constant 1 : i32
    %add3A_41 = arith.addi %mul3A_39, %add3A_40 : i32
    %scan3A_42 = arith.constant 0 : i32
    %scan3A_43 = arith.constant 0 : i32
    %scan3A_44 = arith.constant 16 : i32
    %scan3A_45 = arith.addi %scan3A_43, %scan3A_44 : i32
    %scan3A_46 = arith.constant 1 : i32
    scf.for %scan3A_77 = %scan3A_43 to %scan3A_45 step %scan3A_46  : i32 {
      %mul3A_78 = arith.constant 65536 : i32
      %mul3A_79 = arith.muli %arg1, %mul3A_78 : i32
      %mul3A_80 = arith.constant 4096 : i32
      %mul3A_81 = arith.muli %scan3A_77, %mul3A_80 : i32
      %add3A_82 = arith.addi %mul3A_79, %mul3A_81 : i32
      "tpu.region"() ({
        %run_scoped3A = tpu.sem_alloc : memref<!tpu.dma_semaphore, #tpu.memory_space<semaphore_mem>>
        %dma_start3A = tpu.memref_slice %arg11[%add3A_82] : memref<1048576xf32, #tpu.memory_space<vmem_shared>> -> memref<4096xf32, #tpu.memory_space<vmem_shared>>
        %dma_start3A_83 = tpu.memref_slice %arg11[%add3A_82] : memref<1048576xf32, #tpu.memory_space<vmem_shared>> -> memref<4096xf32, #tpu.memory_space<vmem_shared>>
        tpu.enqueue_dma source(%arg5 : memref<4096xf32, #tpu.memory_space<vmem>>) target(%dma_start3A_83 : memref<4096xf32, #tpu.memory_space<vmem_shared>>) target_semaphore(%run_scoped3A : memref<!tpu.dma_semaphore, #tpu.memory_space<semaphore_mem>>)
        %dma_wait3A = tpu.memref_slice %arg11[%add3A_82] : memref<1048576xf32, #tpu.memory_space<vmem_shared>> -> memref<4096xf32, #tpu.memory_space<vmem_shared>>
        %dma_wait3A_84 = tpu.memref_slice %arg11[%add3A_82] : memref<1048576xf32, #tpu.memory_space<vmem_shared>> -> memref<4096xf32, #tpu.memory_space<vmem_shared>>
        tpu.wait_dma2 semaphore(%run_scoped3A : memref<!tpu.dma_semaphore, #tpu.memory_space<semaphore_mem>>) src(%arg5 : memref<4096xf32, #tpu.memory_space<vmem>>) dst(%dma_wait3A_84 : memref<4096xf32, #tpu.memory_space<vmem_shared>>)
        tpu.yield
      }) : () -> ()
    }
    %scan3A_47 = arith.constant 16 : i32
    %eq3A_48 = arith.constant 0 : i32
    %eq3A_49 = arith.cmpi eq, %arg1, %eq3A_48 : i32
    %convert_element_type3A_50 = arith.extui %eq3A_49 : i1 to i32
    %cond3A_51 = arith.constant 0 : i32
    %cond3A_52 = arith.cmpi ne, %convert_element_type3A_50, %cond3A_51 : i32
    scf.if %cond3A_52 {
      "tpu.region"() ({
        %run_scoped3A = tpu.sem_alloc : memref<!tpu.dma_semaphore, #tpu.memory_space<semaphore_mem>>
        %dma_start3A = arith.constant 0 : i32
        %dma_start3A_77 = tpu.memref_slice %arg5[%dma_start3A] : memref<4096xf32, #tpu.memory_space<vmem>> -> memref<1024xf32, #tpu.memory_space<vmem>>
        %dma_start3A_78 = arith.constant 0 : i32
        %dma_start3A_79 = tpu.memref_slice %arg5[%dma_start3A_78] : memref<4096xf32, #tpu.memory_space<vmem>> -> memref<1024xf32, #tpu.memory_space<vmem>>
        tpu.enqueue_dma source(%dma_start3A_79 : memref<1024xf32, #tpu.memory_space<vmem>>) target(%arg12 : memref<1024xf32, #tpu.memory_space<vmem_shared>>) target_semaphore(%run_scoped3A : memref<!tpu.dma_semaphore, #tpu.memory_space<semaphore_mem>>)
        %dma_wait3A = arith.constant 0 : i32
        %dma_wait3A_80 = tpu.memref_slice %arg5[%dma_wait3A] : memref<4096xf32, #tpu.memory_space<vmem>> -> memref<1024xf32, #tpu.memory_space<vmem>>
        %dma_wait3A_81 = arith.constant 0 : i32
        %dma_wait3A_82 = tpu.memref_slice %arg5[%dma_wait3A_81] : memref<4096xf32, #tpu.memory_space<vmem>> -> memref<1024xf32, #tpu.memory_space<vmem>>
        tpu.wait_dma2 semaphore(%run_scoped3A : memref<!tpu.dma_semaphore, #tpu.memory_space<semaphore_mem>>) src(%dma_wait3A_82 : memref<1024xf32, #tpu.memory_space<vmem>>) dst(%arg12 : memref<1024xf32, #tpu.memory_space<vmem_shared>>)
        tpu.yield
      }) : () -> ()
    } else {
    }
    %mul3A_53 = arith.constant 2048 : i32
    %mul3A_54 = arith.muli %arg1, %mul3A_53 : i32
    "tpu.region"() ({
      %run_scoped3A = tpu.sem_alloc : memref<!tpu.dma_semaphore, #tpu.memory_space<semaphore_mem>>
      %dma_start3A = arith.constant 1 : i32
      %dma_start3A_77 = tpu.memref_slice %arg2[%add3A_41, %dma_start3A, %mul3A_54] : memref<4x3x32768xf32, #tpu.memory_space<hbm>> -> memref<1x2x2048xf32, #tpu.memory_space<hbm>>
      %dma_start3A_78 = arith.constant 1 : i32
      %dma_start3A_79 = tpu.memref_slice %arg2[%add3A_41, %dma_start3A_78, %mul3A_54] : memref<4x3x32768xf32, #tpu.memory_space<hbm>> -> memref<1x2x2048xf32, #tpu.memory_space<hbm>>
      tpu.enqueue_dma source(%dma_start3A_79 : memref<1x2x2048xf32, #tpu.memory_space<hbm>>) target(%arg6 : memref<1x2x2048xf32, #tpu.memory_space<vmem>>) target_semaphore(%run_scoped3A : memref<!tpu.dma_semaphore, #tpu.memory_space<semaphore_mem>>)
      %dma_wait3A = arith.constant 1 : i32
      %dma_wait3A_80 = tpu.memref_slice %arg2[%add3A_41, %dma_wait3A, %mul3A_54] : memref<4x3x32768xf32, #tpu.memory_space<hbm>> -> memref<1x2x2048xf32, #tpu.memory_space<hbm>>
      %dma_wait3A_81 = arith.constant 1 : i32
      %dma_wait3A_82 = tpu.memref_slice %arg2[%add3A_41, %dma_wait3A_81, %mul3A_54] : memref<4x3x32768xf32, #tpu.memory_space<hbm>> -> memref<1x2x2048xf32, #tpu.memory_space<hbm>>
      tpu.wait_dma2 semaphore(%run_scoped3A : memref<!tpu.dma_semaphore, #tpu.memory_space<semaphore_mem>>) src(%dma_wait3A_82 : memref<1x2x2048xf32, #tpu.memory_space<hbm>>) dst(%arg6 : memref<1x2x2048xf32, #tpu.memory_space<vmem>>)
      tpu.yield
    }) : () -> ()
    "tpu.region"() ({
      %run_scoped3A = tpu.sem_alloc : memref<!tpu.dma_semaphore, #tpu.memory_space<semaphore_mem>>
      %dma_start3A = arith.constant 0 : i32
      %dma_start3A_77 = tpu.memref_slice %arg2[%add3A_41, %dma_start3A, %mul3A_54] : memref<4x3x32768xf32, #tpu.memory_space<hbm>> -> memref<1x1x2048xf32, #tpu.memory_space<hbm>>
      %dma_start3A_78 = arith.constant 0 : i32
      %dma_start3A_79 = tpu.memref_slice %arg2[%add3A_41, %dma_start3A_78, %mul3A_54] : memref<4x3x32768xf32, #tpu.memory_space<hbm>> -> memref<1x1x2048xf32, #tpu.memory_space<hbm>>
      tpu.enqueue_dma source(%dma_start3A_79 : memref<1x1x2048xf32, #tpu.memory_space<hbm>>) target(%arg7 : memref<1x1x2048xf32, #tpu.memory_space<vmem>>) target_semaphore(%run_scoped3A : memref<!tpu.dma_semaphore, #tpu.memory_space<semaphore_mem>>)
      %dma_wait3A = arith.constant 0 : i32
      %dma_wait3A_80 = tpu.memref_slice %arg2[%add3A_41, %dma_wait3A, %mul3A_54] : memref<4x3x32768xf32, #tpu.memory_space<hbm>> -> memref<1x1x2048xf32, #tpu.memory_space<hbm>>
      %dma_wait3A_81 = arith.constant 0 : i32
      %dma_wait3A_82 = tpu.memref_slice %arg2[%add3A_41, %dma_wait3A_81, %mul3A_54] : memref<4x3x32768xf32, #tpu.memory_space<hbm>> -> memref<1x1x2048xf32, #tpu.memory_space<hbm>>
      tpu.wait_dma2 semaphore(%run_scoped3A : memref<!tpu.dma_semaphore, #tpu.memory_space<semaphore_mem>>) src(%dma_wait3A_82 : memref<1x1x2048xf32, #tpu.memory_space<hbm>>) dst(%arg7 : memref<1x1x2048xf32, #tpu.memory_space<vmem>>)
      tpu.yield
    }) : () -> ()
    %scan3A_55 = arith.constant 0 : i32
    %scan3A_56 = arith.constant 0 : i32
    %scan3A_57 = arith.constant 128 : i32
    %scan3A_58 = arith.addi %scan3A_56, %scan3A_57 : i32
    %scan3A_59 = arith.constant 1 : i32
    scf.for %scan3A_77 = %scan3A_56 to %scan3A_58 step %scan3A_59  : i32 {
      %mul3A_78 = arith.constant 16 : i32
      %mul3A_79 = arith.muli %scan3A_77, %mul3A_78 : i32
      %get3A = arith.constant 0 : i32
      %get3A_80 = arith.constant 0 : i32
      %get3A_81 = arith.index_cast %get3A : i32 to index
      %get3A_82 = arith.index_cast %get3A_80 : i32 to index
      %get3A_83 = arith.index_cast %mul3A_79 : i32 to index
      %get3A_84 = tpu.vector_load %arg6[%get3A_81, %get3A_82, %get3A_83] {strides = array<i32>} : memref<1x2x2048xf32, #tpu.memory_space<vmem>>, vector<1x1x16xf32>,
      %get3A_85 = vector.shape_cast %get3A_84 : vector<1x1x16xf32> to vector<16xf32>
      %convert_element_type3A_86 = arith.fptosi %get3A_85 : vector<16xf32> to vector<16xi32>
      %get3A_87 = arith.constant 0 : i32
      %get3A_88 = arith.constant 1 : i32
      %get3A_89 = arith.index_cast %get3A_87 : i32 to index
      %get3A_90 = arith.index_cast %get3A_88 : i32 to index
      %get3A_91 = arith.index_cast %mul3A_79 : i32 to index
      %get3A_92 = tpu.vector_load %arg6[%get3A_89, %get3A_90, %get3A_91] {strides = array<i32>} : memref<1x2x2048xf32, #tpu.memory_space<vmem>>, vector<1x1x16xf32>,
      %get3A_93 = vector.shape_cast %get3A_92 : vector<1x1x16xf32> to vector<16xf32>
      %convert_element_type3A_94 = arith.fptosi %get3A_93 : vector<16xf32> to vector<16xi32>
      %get3A_95 = arith.constant 0 : i32
      %get3A_96 = arith.constant 0 : i32
      %get3A_97 = arith.index_cast %get3A_95 : i32 to index
      %get3A_98 = arith.index_cast %get3A_96 : i32 to index
      %get3A_99 = arith.index_cast %mul3A_79 : i32 to index
      %get3A_100 = tpu.vector_load %arg7[%get3A_97, %get3A_98, %get3A_99] {strides = array<i32>} : memref<1x1x2048xf32, #tpu.memory_space<vmem>>, vector<1x1x16xf32>,
      %get3A_101 = vector.shape_cast %get3A_100 : vector<1x1x16xf32> to vector<16xf32>
      %ge3A = arith.constant 2048 : i32
      %ge3A_102 = vector.broadcast %ge3A : i32 to vector<16xi32>
      %ge3A_103 = arith.cmpi sge, %convert_element_type3A_94, %ge3A_102 : vector<16xi32>
      %lt3A = arith.constant 3072 : i32
      %lt3A_104 = vector.broadcast %lt3A : i32 to vector<16xi32>
      %lt3A_105 = arith.cmpi slt, %convert_element_type3A_94, %lt3A_104 : vector<16xi32>
      %and3A = arith.andi %ge3A_103, %lt3A_105 : vector<16xi1>
      %sub3A = arith.constant 2048 : i32
      %sub3A_106 = vector.broadcast %sub3A : i32 to vector<16xi32>
      %sub3A_107 = arith.subi %convert_element_type3A_94, %sub3A_106 : vector<16xi32>
      %shift_right_arithmetic3A = arith.constant 3 : i32
      %shift_right_arithmetic3A_108 = vector.broadcast %shift_right_arithmetic3A : i32 to vector<16xi32>
      %shift_right_arithmetic3A_109 = arith.shrsi %convert_element_type3A_86, %shift_right_arithmetic3A_108 : vector<16xi32>
      %shift_left3A = arith.constant 13 : i32
      %shift_left3A_110 = vector.broadcast %shift_left3A : i32 to vector<16xi32>
      %shift_left3A_111 = arith.shli %shift_right_arithmetic3A_109, %shift_left3A_110 : vector<16xi32>
      %shift_right_arithmetic3A_112 = arith.constant 7 : i32
      %shift_right_arithmetic3A_113 = vector.broadcast %shift_right_arithmetic3A_112 : i32 to vector<16xi32>
      %shift_right_arithmetic3A_114 = arith.shrsi %sub3A_107, %shift_right_arithmetic3A_113 : vector<16xi32>
      %shift_left3A_115 = arith.constant 10 : i32
      %shift_left3A_116 = vector.broadcast %shift_left3A_115 : i32 to vector<16xi32>
      %shift_left3A_117 = arith.shli %shift_right_arithmetic3A_114, %shift_left3A_116 : vector<16xi32>
      %or3A = arith.ori %shift_left3A_111, %shift_left3A_117 : vector<16xi32>
      %and3A_118 = arith.constant 7 : i32
      %and3A_119 = vector.broadcast %and3A_118 : i32 to vector<16xi32>
      %and3A_120 = arith.andi %convert_element_type3A_86, %and3A_119 : vector<16xi32>
      %shift_left3A_121 = arith.constant 7 : i32
      %shift_left3A_122 = vector.broadcast %shift_left3A_121 : i32 to vector<16xi32>
      %shift_left3A_123 = arith.shli %and3A_120, %shift_left3A_122 : vector<16xi32>
      %or3A_124 = arith.ori %or3A, %shift_left3A_123 : vector<16xi32>
      %and3A_125 = arith.constant 127 : i32
      %and3A_126 = vector.broadcast %and3A_125 : i32 to vector<16xi32>
      %and3A_127 = arith.andi %sub3A_107, %and3A_126 : vector<16xi32>
      %or3A_128 = arith.ori %or3A_124, %and3A_127 : vector<16xi32>
      %broadcast_in_dim3A = arith.constant 0 : i32
      %broadcast_in_dim3A_129 = vector.broadcast %broadcast_in_dim3A : i32 to vector<16xi32>
      %select_n3A = arith.select %and3A, %or3A_128, %broadcast_in_dim3A_129 : vector<16xi1>, vector<16xi32>
      %swap3A = arith.index_cast %mul3A_79 : i32 to index
      %swap3A_130 = tpu.vector_load %arg8[%swap3A] {strides = array<i32>} : memref<2048xi32, #tpu.memory_space<vmem>>, vector<16xi32>,
      %swap3A_131 = vector.shape_cast %swap3A_130 : vector<16xi32> to vector<16xi32>
      %swap3A_132 = vector.shape_cast %select_n3A : vector<16xi32> to vector<16xi32>
      tpu.vector_store %arg8[%swap3A], %swap3A_132 {strides = array<i32>} : memref<2048xi32, #tpu.memory_space<vmem>>, vector<16xi32>,
      %select_n3A_133 = arith.select %and3A, %convert_element_type3A_86, %broadcast_in_dim3A_129 : vector<16xi1>, vector<16xi32>
      %swap3A_134 = arith.index_cast %mul3A_79 : i32 to index
      %swap3A_135 = tpu.vector_load %arg9[%swap3A_134] {strides = array<i32>} : memref<2048xi32, #tpu.memory_space<vmem>>, vector<16xi32>,
      %swap3A_136 = vector.shape_cast %swap3A_135 : vector<16xi32> to vector<16xi32>
      %swap3A_137 = vector.shape_cast %select_n3A_133 : vector<16xi32> to vector<16xi32>
      tpu.vector_store %arg9[%swap3A_134], %swap3A_137 {strides = array<i32>} : memref<2048xi32, #tpu.memory_space<vmem>>, vector<16xi32>,
      %broadcast_in_dim3A_138 = arith.constant 0.000000e+00 : f32
      %broadcast_in_dim3A_139 = vector.broadcast %broadcast_in_dim3A_138 : f32 to vector<16xf32>
      %select_n3A_140 = arith.select %and3A, %get3A_101, %broadcast_in_dim3A_139 : vector<16xi1>, vector<16xf32>
      %swap3A_141 = arith.index_cast %mul3A_79 : i32 to index
      %swap3A_142 = tpu.vector_load %arg10[%swap3A_141] {strides = array<i32>} : memref<2048xf32, #tpu.memory_space<vmem>>, vector<16xf32>,
      %swap3A_143 = vector.shape_cast %swap3A_142 : vector<16xf32> to vector<16xf32>
      %swap3A_144 = vector.shape_cast %select_n3A_140 : vector<16xf32> to vector<16xf32>
      tpu.vector_store %arg10[%swap3A_141], %swap3A_144 {strides = array<i32>} : memref<2048xf32, #tpu.memory_space<vmem>>, vector<16xf32>,
    }
    %scan3A_60 = arith.constant 128 : i32
    %barrier3A_61 = arith.constant 0 : index
    tpu.barrier barrier_id(%barrier3A_61)
    "tpu.region"() ({
      %run_scoped3A = tpu.sem_alloc : memref<!tpu.dma_semaphore, #tpu.memory_space<semaphore_mem>>
      %dma_start3A = arith.constant 0 : i32
      %dma_start3A_77 = tpu.memref_slice %arg11[%dma_start3A] : memref<1048576xf32, #tpu.memory_space<vmem_shared>> -> memref<1048576xf32, #tpu.memory_space<vmem_shared>>
      tpu.enqueue_indirect_dma source(%arg10 : memref<2048xf32, #tpu.memory_space<vmem>>) target(%dma_start3A_77 : memref<1048576xf32, #tpu.memory_space<vmem_shared>>) offsets(%arg8 : memref<2048xi32, #tpu.memory_space<vmem>>) semaphore(%run_scoped3A : memref<!tpu.dma_semaphore, #tpu.memory_space<semaphore_mem>>) {add = true}
      %dma_wait3A = arith.constant 0 : i32
      %dma_wait3A_78 = tpu.memref_slice %arg11[%dma_wait3A] : memref<1048576xf32, #tpu.memory_space<vmem_shared>> -> memref<1048576xf32, #tpu.memory_space<vmem_shared>>
      tpu.wait_indirect_dma semaphore(%run_scoped3A : memref<!tpu.dma_semaphore, #tpu.memory_space<semaphore_mem>>) src(%arg10 : memref<2048xf32, #tpu.memory_space<vmem>>) dst(%dma_wait3A_78 : memref<1048576xf32, #tpu.memory_space<vmem_shared>>)
      tpu.yield
    }) : () -> ()
    "tpu.region"() ({
      %run_scoped3A = tpu.sem_alloc : memref<!tpu.dma_semaphore, #tpu.memory_space<semaphore_mem>>
      %dma_start3A = arith.constant 0 : i32
      %dma_start3A_77 = tpu.memref_slice %arg12[%dma_start3A] : memref<1024xf32, #tpu.memory_space<vmem_shared>> -> memref<1024xf32, #tpu.memory_space<vmem_shared>>
      tpu.enqueue_indirect_dma source(%arg10 : memref<2048xf32, #tpu.memory_space<vmem>>) target(%dma_start3A_77 : memref<1024xf32, #tpu.memory_space<vmem_shared>>) offsets(%arg9 : memref<2048xi32, #tpu.memory_space<vmem>>) semaphore(%run_scoped3A : memref<!tpu.dma_semaphore, #tpu.memory_space<semaphore_mem>>) {add = true}
      %dma_wait3A = arith.constant 0 : i32
      %dma_wait3A_78 = tpu.memref_slice %arg12[%dma_wait3A] : memref<1024xf32, #tpu.memory_space<vmem_shared>> -> memref<1024xf32, #tpu.memory_space<vmem_shared>>
      tpu.wait_indirect_dma semaphore(%run_scoped3A : memref<!tpu.dma_semaphore, #tpu.memory_space<semaphore_mem>>) src(%arg10 : memref<2048xf32, #tpu.memory_space<vmem>>) dst(%dma_wait3A_78 : memref<1024xf32, #tpu.memory_space<vmem_shared>>)
      tpu.yield
    }) : () -> ()
    %barrier3A_62 = arith.constant 0 : index
    tpu.barrier barrier_id(%barrier3A_62)
    %mul3A_63 = arith.constant 65536 : i32
    %mul3A_64 = arith.muli %arg1, %mul3A_63 : i32
    %mul3A_65 = arith.constant 1024 : i32
    %mul3A_66 = arith.muli %add3A_41, %mul3A_65 : i32
    %mul3A_67 = arith.constant 1024 : i32
    %mul3A_68 = arith.muli %mul3A_66, %mul3A_67 : i32
    %mul3A_69 = arith.constant 65536 : i32
    %mul3A_70 = arith.muli %arg1, %mul3A_69 : i32
    %add3A_71 = arith.addi %mul3A_68, %mul3A_70 : i32
    "tpu.region"() ({
      %run_scoped3A = tpu.sem_alloc : memref<!tpu.dma_semaphore, #tpu.memory_space<semaphore_mem>>
      %dma_start3A = tpu.memref_slice %arg3[%add3A_71] : memref<4194304xf32, #tpu.memory_space<hbm>> -> memref<65536xf32, #tpu.memory_space<hbm>>
      %dma_start3A_77 = tpu.memref_slice %arg11[%mul3A_64] : memref<1048576xf32, #tpu.memory_space<vmem_shared>> -> memref<65536xf32, #tpu.memory_space<vmem_shared>>
      tpu.enqueue_dma source(%dma_start3A_77 : memref<65536xf32, #tpu.memory_space<vmem_shared>>) target(%dma_start3A : memref<65536xf32, #tpu.memory_space<hbm>>) target_semaphore(%run_scoped3A : memref<!tpu.dma_semaphore, #tpu.memory_space<semaphore_mem>>)
      %dma_wait3A = tpu.memref_slice %arg3[%add3A_71] : memref<4194304xf32, #tpu.memory_space<hbm>> -> memref<65536xf32, #tpu.memory_space<hbm>>
      %dma_wait3A_78 = tpu.memref_slice %arg11[%mul3A_64] : memref<1048576xf32, #tpu.memory_space<vmem_shared>> -> memref<65536xf32, #tpu.memory_space<vmem_shared>>
      tpu.wait_dma2 semaphore(%run_scoped3A : memref<!tpu.dma_semaphore, #tpu.memory_space<semaphore_mem>>) src(%dma_wait3A_78 : memref<65536xf32, #tpu.memory_space<vmem_shared>>) dst(%dma_wait3A : memref<65536xf32, #tpu.memory_space<hbm>>)
      tpu.yield
    }) : () -> ()
    %eq3A_72 = arith.constant 0 : i32
    %eq3A_73 = arith.cmpi eq, %arg1, %eq3A_72 : i32
    %convert_element_type3A_74 = arith.extui %eq3A_73 : i1 to i32
    %cond3A_75 = arith.constant 0 : i32
    %cond3A_76 = arith.cmpi ne, %convert_element_type3A_74, %cond3A_75 : i32
    scf.if %cond3A_76 {
      "tpu.region"() ({
        %run_scoped3A = tpu.sem_alloc : memref<!tpu.dma_semaphore, #tpu.memory_space<semaphore_mem>>
        %dma_start3A = arith.constant 0 : i32
        %dma_start3A_77 = tpu.memref_slice %arg4[%add3A_41, %dma_start3A] : memref<4x1024xf32, #tpu.memory_space<hbm>> -> memref<1x1024xf32, #tpu.memory_space<hbm>>
        %dma_start3A_78 = tpu.memref_squeeze %dma_start3A_77 : memref<1x1024xf32, #tpu.memory_space<hbm>> -> memref<1024xf32, #tpu.memory_space<hbm>>
        tpu.enqueue_dma source(%arg12 : memref<1024xf32, #tpu.memory_space<vmem_shared>>) target(%dma_start3A_78 : memref<1024xf32, #tpu.memory_space<hbm>>) target_semaphore(%run_scoped3A : memref<!tpu.dma_semaphore, #tpu.memory_space<semaphore_mem>>)
        %dma_wait3A = arith.constant 0 : i32
        %dma_wait3A_79 = tpu.memref_slice %arg4[%add3A_41, %dma_wait3A] : memref<4x1024xf32, #tpu.memory_space<hbm>> -> memref<1x1024xf32, #tpu.memory_space<hbm>>
        %dma_wait3A_80 = tpu.memref_squeeze %dma_wait3A_79 : memref<1x1024xf32, #tpu.memory_space<hbm>> -> memref<1024xf32, #tpu.memory_space<hbm>>
        tpu.wait_dma2 semaphore(%run_scoped3A : memref<!tpu.dma_semaphore, #tpu.memory_space<semaphore_mem>>) src(%arg12 : memref<1024xf32, #tpu.memory_space<vmem_shared>>) dst(%dma_wait3A_80 : memref<1024xf32, #tpu.memory_space<hbm>>)
        tpu.yield
      }) : () -> ()
    } else {
    }
    return
  }
}

module attributes {stable_mosaic.version = 14 : i64} {
  func.func @_tc1_body(%arg0: i32, %arg1: i32, %arg2: memref<1x1x1024xf32, #tpu.memory_space<vmem>>, %arg3: memref<1x1x512xf32, #tpu.memory_space<vmem>>, %arg4: memref<1x64x8x8x128xf32, #tpu.memory_space<vmem>>, %arg5: memref<1x1024x256xf32, #tpu.memory_space<vmem>>, %arg6: memref<1x512x256xf32, #tpu.memory_space<vmem>>, %arg7: memref<256x256xf32, #tpu.memory_space<vmem>>, %arg8: memref<1x256xf32, #tpu.memory_space<vmem>>, %arg9: memref<1x512x256xbf16, #tpu.memory_space<vmem>>) attributes {dimension_semantics = [#tpu.dimension_semantics<parallel>, #tpu.dimension_semantics<parallel>], iteration_bounds = array<i64: 4, 2>, scalar_prefetch = 0 : i64, scratch_operands = 0 : i64, tpu.core_type = #tpu.core_type<tc>, window_params = [{transform_indices = @transform_0, window_bounds = array<i64: 1, 1, 1024>}, {transform_indices = @transform_1, window_bounds = array<i64: 1, 1, 512>}, {transform_indices = @transform_2, window_bounds = array<i64: 1, 64, 8, 8, 128>}, {transform_indices = @transform_3, window_bounds = array<i64: 1, 1024, 256>}, {transform_indices = @transform_4, window_bounds = array<i64: 1, 512, 256>}, {pipeline_mode = #tpu.pipeline_mode<synchronous>, transform_indices = @transform_5, window_bounds = array<i64: 256, 256>}, {pipeline_mode = #tpu.pipeline_mode<synchronous>, transform_indices = @transform_6, window_bounds = array<i64: 1, 256>}, {transform_indices = @transform_7, window_bounds = array<i64: 1, 512, 256>}]} {
    %get3A = arith.constant 0 : index
    %get3A_0 = arith.constant 0 : index
    %get3A_1 = arith.constant 0 : index
    %get3A_2 = vector.load %arg2[%get3A, %get3A_0, %get3A_1] : memref<1x1x1024xf32, #tpu.memory_space<vmem>>, vector<1x1x1024xf32>
    %get3A_3 = vector.shape_cast %get3A_2 : vector<1x1x1024xf32> to vector<1024xf32>
    %add3A = arith.constant 1.000000e+00 : f32
    %add3A_4 = vector.broadcast %add3A : f32 to vector<1024xf32>
    %add3A_5 = arith.addf %get3A_3, %add3A_4 : vector<1024xf32>
    %rsqrt3A = math.rsqrt %add3A_5 : vector<1024xf32>
    %get3A_6 = arith.constant 0 : index
    %get3A_7 = arith.constant 0 : index
    %get3A_8 = arith.constant 0 : index
    %get3A_9 = vector.load %arg3[%get3A_6, %get3A_7, %get3A_8] : memref<1x1x512xf32, #tpu.memory_space<vmem>>, vector<1x1x512xf32>
    %get3A_10 = vector.shape_cast %get3A_9 : vector<1x1x512xf32> to vector<512xf32>
    %add3A_11 = arith.constant 1.000000e+00 : f32
    %add3A_12 = vector.broadcast %add3A_11 : f32 to vector<512xf32>
    %add3A_13 = arith.addf %get3A_10, %add3A_12 : vector<512xf32>
    %rsqrt3A_14 = math.rsqrt %add3A_13 : vector<512xf32>
    %get3A_15 = arith.constant 0 : index
    %get3A_16 = arith.constant 0 : index
    %get3A_17 = arith.constant 0 : index
    %get3A_18 = vector.load %arg5[%get3A_15, %get3A_16, %get3A_17] : memref<1x1024x256xf32, #tpu.memory_space<vmem>>, vector<1x1024x256xf32>
    %get3A_19 = vector.shape_cast %get3A_18 : vector<1x1024x256xf32> to vector<1024x256xf32>
    %broadcast_in_dim3A = vector.shape_cast %rsqrt3A : vector<1024xf32> to vector<1024x1xf32>
    %mul3A = vector.broadcast %broadcast_in_dim3A : vector<1024x1xf32> to vector<1024x256xf32>
    %mul3A_20 = arith.mulf %get3A_19, %mul3A : vector<1024x256xf32>
    %convert_element_type3A = arith.truncf %mul3A_20 : vector<1024x256xf32> to vector<1024x256xbf16>
    %get3A_21 = arith.constant 0 : index
    %get3A_22 = arith.constant 0 : index
    %get3A_23 = arith.constant 0 : index
    %get3A_24 = arith.constant 0 : index
    %get3A_25 = arith.constant 0 : index
    %get3A_26 = vector.load %arg4[%get3A_21, %get3A_22, %get3A_23, %get3A_24, %get3A_25] : memref<1x64x8x8x128xf32, #tpu.memory_space<vmem>>, vector<1x64x8x8x128xf32>
    %get3A_27 = vector.shape_cast %get3A_26 : vector<1x64x8x8x128xf32> to vector<64x8x8x128xf32>
    %convert_element_type3A_28 = arith.truncf %get3A_27 : vector<64x8x8x128xf32> to vector<64x8x8x128xbf16>
    %broadcast_in_dim3A_29 = arith.constant 0.000000e+00 : f32
    %broadcast_in_dim3A_30 = vector.broadcast %broadcast_in_dim3A_29 : f32 to vector<512x256xf32>
    %slice3A = vector.extract_strided_slice %convert_element_type3A_28 {offsets = [0, 0, 0, 0], sizes = [64, 1, 8, 128], strides = [1, 1, 1, 1]} : vector<64x8x8x128xbf16> to vector<64x1x8x128xbf16>
    %squeeze3A = vector.shape_cast %slice3A : vector<64x1x8x128xbf16> to vector<64x8x128xbf16>
    %reshape3A = vector.shape_cast %squeeze3A : vector<64x8x128xbf16> to vector<512x128xbf16>
    %slice3A_31 = vector.extract_strided_slice %convert_element_type3A {offsets = [0, 0], sizes = [128, 256], strides = [1, 1]} : vector<1024x256xbf16> to vector<128x256xbf16>
    %dot_general3A = arith.constant dense<0.000000e+00> : vector<512x256xf32>
    %dot_general3A_32 = tpu.matmul %reshape3A, %slice3A_31, %dot_general3A {dimension_numbers = #tpu.dot_dimension_numbers<[1], [0], [0], [1], [0, 0, 1, 1], [], []>, transpose_lhs_hint = false} : vector<512x128xbf16>, vector<128x256xbf16>, vector<512x256xf32> -> vector<512x256xf32>
    %add3A_33 = arith.addf %broadcast_in_dim3A_30, %dot_general3A_32 : vector<512x256xf32>
    %slice3A_34 = vector.extract_strided_slice %convert_element_type3A_28 {offsets = [0, 1, 0, 0], sizes = [64, 1, 8, 128], strides = [1, 1, 1, 1]} : vector<64x8x8x128xbf16> to vector<64x1x8x128xbf16>
    %squeeze3A_35 = vector.shape_cast %slice3A_34 : vector<64x1x8x128xbf16> to vector<64x8x128xbf16>
    %reshape3A_36 = vector.shape_cast %squeeze3A_35 : vector<64x8x128xbf16> to vector<512x128xbf16>
    %slice3A_37 = vector.extract_strided_slice %convert_element_type3A {offsets = [128, 0], sizes = [128, 256], strides = [1, 1]} : vector<1024x256xbf16> to vector<128x256xbf16>
    %dot_general3A_38 = arith.constant dense<0.000000e+00> : vector<512x256xf32>
    %dot_general3A_39 = tpu.matmul %reshape3A_36, %slice3A_37, %dot_general3A_38 {dimension_numbers = #tpu.dot_dimension_numbers<[1], [0], [0], [1], [0, 0, 1, 1], [], []>, transpose_lhs_hint = false} : vector<512x128xbf16>, vector<128x256xbf16>, vector<512x256xf32> -> vector<512x256xf32>
    %add3A_40 = arith.addf %add3A_33, %dot_general3A_39 : vector<512x256xf32>
    %slice3A_41 = vector.extract_strided_slice %convert_element_type3A_28 {offsets = [0, 2, 0, 0], sizes = [64, 1, 8, 128], strides = [1, 1, 1, 1]} : vector<64x8x8x128xbf16> to vector<64x1x8x128xbf16>
    %squeeze3A_42 = vector.shape_cast %slice3A_41 : vector<64x1x8x128xbf16> to vector<64x8x128xbf16>
    %reshape3A_43 = vector.shape_cast %squeeze3A_42 : vector<64x8x128xbf16> to vector<512x128xbf16>
    %slice3A_44 = vector.extract_strided_slice %convert_element_type3A {offsets = [256, 0], sizes = [128, 256], strides = [1, 1]} : vector<1024x256xbf16> to vector<128x256xbf16>
    %dot_general3A_45 = arith.constant dense<0.000000e+00> : vector<512x256xf32>
    %dot_general3A_46 = tpu.matmul %reshape3A_43, %slice3A_44, %dot_general3A_45 {dimension_numbers = #tpu.dot_dimension_numbers<[1], [0], [0], [1], [0, 0, 1, 1], [], []>, transpose_lhs_hint = false} : vector<512x128xbf16>, vector<128x256xbf16>, vector<512x256xf32> -> vector<512x256xf32>
    %add3A_47 = arith.addf %add3A_40, %dot_general3A_46 : vector<512x256xf32>
    %slice3A_48 = vector.extract_strided_slice %convert_element_type3A_28 {offsets = [0, 3, 0, 0], sizes = [64, 1, 8, 128], strides = [1, 1, 1, 1]} : vector<64x8x8x128xbf16> to vector<64x1x8x128xbf16>
    %squeeze3A_49 = vector.shape_cast %slice3A_48 : vector<64x1x8x128xbf16> to vector<64x8x128xbf16>
    %reshape3A_50 = vector.shape_cast %squeeze3A_49 : vector<64x8x128xbf16> to vector<512x128xbf16>
    %slice3A_51 = vector.extract_strided_slice %convert_element_type3A {offsets = [384, 0], sizes = [128, 256], strides = [1, 1]} : vector<1024x256xbf16> to vector<128x256xbf16>
    %dot_general3A_52 = arith.constant dense<0.000000e+00> : vector<512x256xf32>
    %dot_general3A_53 = tpu.matmul %reshape3A_50, %slice3A_51, %dot_general3A_52 {dimension_numbers = #tpu.dot_dimension_numbers<[1], [0], [0], [1], [0, 0, 1, 1], [], []>, transpose_lhs_hint = false} : vector<512x128xbf16>, vector<128x256xbf16>, vector<512x256xf32> -> vector<512x256xf32>
    %add3A_54 = arith.addf %add3A_47, %dot_general3A_53 : vector<512x256xf32>
    %slice3A_55 = vector.extract_strided_slice %convert_element_type3A_28 {offsets = [0, 4, 0, 0], sizes = [64, 1, 8, 128], strides = [1, 1, 1, 1]} : vector<64x8x8x128xbf16> to vector<64x1x8x128xbf16>
    %squeeze3A_56 = vector.shape_cast %slice3A_55 : vector<64x1x8x128xbf16> to vector<64x8x128xbf16>
    %reshape3A_57 = vector.shape_cast %squeeze3A_56 : vector<64x8x128xbf16> to vector<512x128xbf16>
    %slice3A_58 = vector.extract_strided_slice %convert_element_type3A {offsets = [512, 0], sizes = [128, 256], strides = [1, 1]} : vector<1024x256xbf16> to vector<128x256xbf16>
    %dot_general3A_59 = arith.constant dense<0.000000e+00> : vector<512x256xf32>
    %dot_general3A_60 = tpu.matmul %reshape3A_57, %slice3A_58, %dot_general3A_59 {dimension_numbers = #tpu.dot_dimension_numbers<[1], [0], [0], [1], [0, 0, 1, 1], [], []>, transpose_lhs_hint = false} : vector<512x128xbf16>, vector<128x256xbf16>, vector<512x256xf32> -> vector<512x256xf32>
    %add3A_61 = arith.addf %add3A_54, %dot_general3A_60 : vector<512x256xf32>
    %slice3A_62 = vector.extract_strided_slice %convert_element_type3A_28 {offsets = [0, 5, 0, 0], sizes = [64, 1, 8, 128], strides = [1, 1, 1, 1]} : vector<64x8x8x128xbf16> to vector<64x1x8x128xbf16>
    %squeeze3A_63 = vector.shape_cast %slice3A_62 : vector<64x1x8x128xbf16> to vector<64x8x128xbf16>
    %reshape3A_64 = vector.shape_cast %squeeze3A_63 : vector<64x8x128xbf16> to vector<512x128xbf16>
    %slice3A_65 = vector.extract_strided_slice %convert_element_type3A {offsets = [640, 0], sizes = [128, 256], strides = [1, 1]} : vector<1024x256xbf16> to vector<128x256xbf16>
    %dot_general3A_66 = arith.constant dense<0.000000e+00> : vector<512x256xf32>
    %dot_general3A_67 = tpu.matmul %reshape3A_64, %slice3A_65, %dot_general3A_66 {dimension_numbers = #tpu.dot_dimension_numbers<[1], [0], [0], [1], [0, 0, 1, 1], [], []>, transpose_lhs_hint = false} : vector<512x128xbf16>, vector<128x256xbf16>, vector<512x256xf32> -> vector<512x256xf32>
    %add3A_68 = arith.addf %add3A_61, %dot_general3A_67 : vector<512x256xf32>
    %slice3A_69 = vector.extract_strided_slice %convert_element_type3A_28 {offsets = [0, 6, 0, 0], sizes = [64, 1, 8, 128], strides = [1, 1, 1, 1]} : vector<64x8x8x128xbf16> to vector<64x1x8x128xbf16>
    %squeeze3A_70 = vector.shape_cast %slice3A_69 : vector<64x1x8x128xbf16> to vector<64x8x128xbf16>
    %reshape3A_71 = vector.shape_cast %squeeze3A_70 : vector<64x8x128xbf16> to vector<512x128xbf16>
    %slice3A_72 = vector.extract_strided_slice %convert_element_type3A {offsets = [768, 0], sizes = [128, 256], strides = [1, 1]} : vector<1024x256xbf16> to vector<128x256xbf16>
    %dot_general3A_73 = arith.constant dense<0.000000e+00> : vector<512x256xf32>
    %dot_general3A_74 = tpu.matmul %reshape3A_71, %slice3A_72, %dot_general3A_73 {dimension_numbers = #tpu.dot_dimension_numbers<[1], [0], [0], [1], [0, 0, 1, 1], [], []>, transpose_lhs_hint = false} : vector<512x128xbf16>, vector<128x256xbf16>, vector<512x256xf32> -> vector<512x256xf32>
    %add3A_75 = arith.addf %add3A_68, %dot_general3A_74 : vector<512x256xf32>
    %slice3A_76 = vector.extract_strided_slice %convert_element_type3A_28 {offsets = [0, 7, 0, 0], sizes = [64, 1, 8, 128], strides = [1, 1, 1, 1]} : vector<64x8x8x128xbf16> to vector<64x1x8x128xbf16>
    %squeeze3A_77 = vector.shape_cast %slice3A_76 : vector<64x1x8x128xbf16> to vector<64x8x128xbf16>
    %reshape3A_78 = vector.shape_cast %squeeze3A_77 : vector<64x8x128xbf16> to vector<512x128xbf16>
    %slice3A_79 = vector.extract_strided_slice %convert_element_type3A {offsets = [896, 0], sizes = [128, 256], strides = [1, 1]} : vector<1024x256xbf16> to vector<128x256xbf16>
    %dot_general3A_80 = arith.constant dense<0.000000e+00> : vector<512x256xf32>
    %dot_general3A_81 = tpu.matmul %reshape3A_78, %slice3A_79, %dot_general3A_80 {dimension_numbers = #tpu.dot_dimension_numbers<[1], [0], [0], [1], [0, 0, 1, 1], [], []>, transpose_lhs_hint = false} : vector<512x128xbf16>, vector<128x256xbf16>, vector<512x256xf32> -> vector<512x256xf32>
    %add3A_82 = arith.addf %add3A_75, %dot_general3A_81 : vector<512x256xf32>
    %get3A_83 = arith.constant 0 : index
    %get3A_84 = arith.constant 0 : index
    %get3A_85 = arith.constant 0 : index
    %get3A_86 = vector.load %arg6[%get3A_83, %get3A_84, %get3A_85] : memref<1x512x256xf32, #tpu.memory_space<vmem>>, vector<1x512x256xf32>
    %get3A_87 = vector.shape_cast %get3A_86 : vector<1x512x256xf32> to vector<512x256xf32>
    %broadcast_in_dim3A_88 = vector.shape_cast %rsqrt3A_14 : vector<512xf32> to vector<512x1xf32>
    %mul3A_89 = vector.broadcast %broadcast_in_dim3A_88 : vector<512x1xf32> to vector<512x256xf32>
    %mul3A_90 = arith.mulf %get3A_87, %mul3A_89 : vector<512x256xf32>
    %add3A_91 = arith.addf %add3A_82, %mul3A_90 : vector<512x256xf32>
    %broadcast_in_dim3A_92 = vector.shape_cast %rsqrt3A_14 : vector<512xf32> to vector<512x1xf32>
    %mul3A_93 = vector.broadcast %broadcast_in_dim3A_92 : vector<512x1xf32> to vector<512x256xf32>
    %mul3A_94 = arith.mulf %add3A_91, %mul3A_93 : vector<512x256xf32>
    %get3A_95 = arith.constant 0 : index
    %get3A_96 = arith.constant 0 : index
    %get3A_97 = vector.load %arg7[%get3A_95, %get3A_96] : memref<256x256xf32, #tpu.memory_space<vmem>>, vector<256x256xf32>
    %dot_general3A_98 = arith.constant dense<0.000000e+00> : vector<512x256xf32>
    %dot_general3A_99 = tpu.matmul %mul3A_94, %get3A_97, %dot_general3A_98 {dimension_numbers = #tpu.dot_dimension_numbers<[1], [1], [0], [0], [0, 0, 1, 0], [], []>, transpose_lhs_hint = false} : vector<512x256xf32>, vector<256x256xf32>, vector<512x256xf32> -> vector<512x256xf32>
    %get3A_100 = arith.constant 0 : index
    %get3A_101 = arith.constant 0 : index
    %get3A_102 = vector.load %arg8[%get3A_100, %get3A_101] : memref<1x256xf32, #tpu.memory_space<vmem>>, vector<1x256xf32>
    %get3A_103 = vector.shape_cast %get3A_102 : vector<1x256xf32> to vector<256xf32>
    %broadcast_in_dim3A_104 = vector.shape_cast %get3A_103 : vector<256xf32> to vector<1x256xf32>
    %add3A_105 = vector.broadcast %broadcast_in_dim3A_104 : vector<1x256xf32> to vector<512x256xf32>
    %add3A_106 = arith.addf %dot_general3A_99, %add3A_105 : vector<512x256xf32>
    %max3A = arith.constant 0.000000e+00 : f32
    %max3A_107 = vector.broadcast %max3A : f32 to vector<512x256xf32>
    %max3A_108 = arith.maximumf %add3A_106, %max3A_107 : vector<512x256xf32>
    %mul3A_109 = arith.mulf %max3A_108, %max3A_108 : vector<512x256xf32>
    %reduce_sum3A = arith.constant dense<0.000000e+00> : vector<512xf32>
    %reduce_sum3A_110 = vector.multi_reduction <add>, %mul3A_109, %reduce_sum3A [1] : vector<512x256xf32> to vector<512xf32>
    %sqrt3A = math.sqrt %reduce_sum3A_110 : vector<512xf32>
    %max3A_111 = arith.constant 9.99999993E-9 : f32
    %max3A_112 = vector.broadcast %max3A_111 : f32 to vector<512xf32>
    %max3A_113 = arith.maximumf %sqrt3A, %max3A_112 : vector<512xf32>
    %broadcast_in_dim3A_114 = vector.shape_cast %max3A_113 : vector<512xf32> to vector<512x1xf32>
    %div3A = vector.broadcast %broadcast_in_dim3A_114 : vector<512x1xf32> to vector<512x256xf32>
    %div3A_115 = arith.divf %max3A_108, %div3A : vector<512x256xf32>
    %convert_element_type3A_116 = arith.truncf %div3A_115 : vector<512x256xf32> to vector<512x256xbf16>
    %swap3A = arith.constant 0 : index
    %swap3A_117 = arith.constant 0 : index
    %swap3A_118 = arith.constant 0 : index
    %swap3A_119 = vector.load %arg9[%swap3A, %swap3A_117, %swap3A_118] : memref<1x512x256xbf16, #tpu.memory_space<vmem>>, vector<1x512x256xbf16>
    %swap3A_120 = vector.shape_cast %swap3A_119 : vector<1x512x256xbf16> to vector<512x256xbf16>
    %swap3A_121 = vector.shape_cast %convert_element_type3A_116 : vector<512x256xbf16> to vector<1x512x256xbf16>
    tpu.vector_store %arg9[%swap3A, %swap3A_117, %swap3A_118], %swap3A_121 {strides = array<i32>} : memref<1x512x256xbf16, #tpu.memory_space<vmem>>, vector<1x512x256xbf16>,
    return
  }
  func.func @transform_0(%arg0: i32, %arg1: i32) -> (i32, i32, i32) {
    %c0_i32 = arith.constant 0 : i32
    %c0_i32_0 = arith.constant 0 : i32
    %c0_i32_1 = arith.constant 0 : i32
    return %arg0, %c0_i32, %c0_i32_0 : i32, i32, i32
  }
  func.func @transform_1(%arg0: i32, %arg1: i32) -> (i32, i32, i32) {
    %c0_i32 = arith.constant 0 : i32
    %c0_i32_0 = arith.constant 0 : i32
    return %arg0, %c0_i32, %arg1 : i32, i32, i32
  }
  func.func @transform_2(%arg0: i32, %arg1: i32) -> (i32, i32, i32, i32, i32) {
    %c0_i32 = arith.constant 0 : i32
    %c0_i32_0 = arith.constant 0 : i32
    %c0_i32_1 = arith.constant 0 : i32
    %c0_i32_2 = arith.constant 0 : i32
    return %arg0, %arg1, %c0_i32, %c0_i32_0, %c0_i32_1 : i32, i32, i32, i32, i32
  }
  func.func @transform_3(%arg0: i32, %arg1: i32) -> (i32, i32, i32) {
    %c0_i32 = arith.constant 0 : i32
    %c0_i32_0 = arith.constant 0 : i32
    %c0_i32_1 = arith.constant 0 : i32
    return %arg0, %c0_i32, %c0_i32_0 : i32, i32, i32
  }
  func.func @transform_4(%arg0: i32, %arg1: i32) -> (i32, i32, i32) {
    %c0_i32 = arith.constant 0 : i32
    %c0_i32_0 = arith.constant 0 : i32
    return %arg0, %arg1, %c0_i32 : i32, i32, i32
  }
  func.func @transform_5(%arg0: i32, %arg1: i32) -> (i32, i32) {
    %c0_i32 = arith.constant 0 : i32
    %c0_i32_0 = arith.constant 0 : i32
    %c0_i32_1 = arith.constant 0 : i32
    return %c0_i32, %c0_i32_0 : i32, i32
  }
  func.func @transform_6(%arg0: i32, %arg1: i32) -> (i32, i32) {
    %c0_i32 = arith.constant 0 : i32
    %c0_i32_0 = arith.constant 0 : i32
    %c0_i32_1 = arith.constant 0 : i32
    return %c0_i32, %c0_i32_0 : i32, i32
  }
  func.func @transform_7(%arg0: i32, %arg1: i32) -> (i32, i32, i32) {
    %c0_i32 = arith.constant 0 : i32
    %c0_i32_0 = arith.constant 0 : i32
    return %arg0, %arg1, %c0_i32 : i32, i32, i32
  }
}

module attributes {stable_mosaic.version = 14 : i64} {
  func.func @_tc2a_body(%arg0: i32, %arg1: i32, %arg2: memref<512x1024xbf16, #tpu.memory_space<vmem>>, %arg3: memref<1x1024x256xbf16, #tpu.memory_space<vmem>>, %arg4: memref<1x512x256xbf16, #tpu.memory_space<vmem>>) attributes {dimension_semantics = [#tpu.dimension_semantics<parallel>, #tpu.dimension_semantics<parallel>], iteration_bounds = array<i64: 4, 2>, scalar_prefetch = 0 : i64, scratch_operands = 0 : i64, tpu.core_type = #tpu.core_type<tc>, window_params = [{transform_indices = @transform_0, window_bounds = array<i64: 512, 1024>}, {transform_indices = @transform_1, window_bounds = array<i64: 1, 1024, 256>}, {transform_indices = @transform_2, window_bounds = array<i64: 1, 512, 256>}]} {
    %get3A = arith.constant 0 : index
    %get3A_0 = arith.constant 0 : index
    %get3A_1 = vector.load %arg2[%get3A, %get3A_0] : memref<512x1024xbf16, #tpu.memory_space<vmem>>, vector<512x1024xbf16>
    %get3A_2 = arith.constant 0 : index
    %get3A_3 = arith.constant 0 : index
    %get3A_4 = arith.constant 0 : index
    %get3A_5 = vector.load %arg3[%get3A_2, %get3A_3, %get3A_4] : memref<1x1024x256xbf16, #tpu.memory_space<vmem>>, vector<1x1024x256xbf16>
    %get3A_6 = vector.shape_cast %get3A_5 : vector<1x1024x256xbf16> to vector<1024x256xbf16>
    %dot_general3A = arith.constant dense<0.000000e+00> : vector<512x256xf32>
    %dot_general3A_7 = tpu.matmul %get3A_1, %get3A_6, %dot_general3A {dimension_numbers = #tpu.dot_dimension_numbers<[1], [0], [0], [1], [0, 0, 1, 1], [], []>, transpose_lhs_hint = false} : vector<512x1024xbf16>, vector<1024x256xbf16>, vector<512x256xf32> -> vector<512x256xf32>
    %convert_element_type3A = arith.truncf %dot_general3A_7 : vector<512x256xf32> to vector<512x256xbf16>
    %swap3A = arith.constant 0 : index
    %swap3A_8 = arith.constant 0 : index
    %swap3A_9 = arith.constant 0 : index
    %swap3A_10 = vector.load %arg4[%swap3A, %swap3A_8, %swap3A_9] : memref<1x512x256xbf16, #tpu.memory_space<vmem>>, vector<1x512x256xbf16>
    %swap3A_11 = vector.shape_cast %swap3A_10 : vector<1x512x256xbf16> to vector<512x256xbf16>
    %swap3A_12 = vector.shape_cast %convert_element_type3A : vector<512x256xbf16> to vector<1x512x256xbf16>
    tpu.vector_store %arg4[%swap3A, %swap3A_8, %swap3A_9], %swap3A_12 {strides = array<i32>} : memref<1x512x256xbf16, #tpu.memory_space<vmem>>, vector<1x512x256xbf16>,
    return
  }
  func.func @transform_0(%arg0: i32, %arg1: i32) -> (i32, i32) {
    %c0_i32 = arith.constant 0 : i32
    %c0_i32_0 = arith.constant 0 : i32
    return %arg1, %c0_i32 : i32, i32
  }
  func.func @transform_1(%arg0: i32, %arg1: i32) -> (i32, i32, i32) {
    %c0_i32 = arith.constant 0 : i32
    %c0_i32_0 = arith.constant 0 : i32
    %c0_i32_1 = arith.constant 0 : i32
    return %arg0, %c0_i32, %c0_i32_0 : i32, i32, i32
  }
  func.func @transform_2(%arg0: i32, %arg1: i32) -> (i32, i32, i32) {
    %c0_i32 = arith.constant 0 : i32
    %c0_i32_0 = arith.constant 0 : i32
    return %arg0, %arg1, %c0_i32 : i32, i32, i32
  }
}

module attributes {stable_mosaic.version = 14 : i64} {
  func.func @_tc2_body(%arg0: i32, %arg1: i32, %arg2: memref<1x512x256xbf16, #tpu.memory_space<vmem>>, %arg3: memref<1x1024x256xbf16, #tpu.memory_space<vmem>>, %arg4: memref<1x1024xf32, #tpu.memory_space<vmem>>, %arg5: memref<1x512x1024xf32, #tpu.memory_space<vmem>>) attributes {dimension_semantics = [#tpu.dimension_semantics<parallel>, #tpu.dimension_semantics<parallel>], iteration_bounds = array<i64: 4, 2>, scalar_prefetch = 0 : i64, scratch_operands = 0 : i64, tpu.core_type = #tpu.core_type<tc>, window_params = [{transform_indices = @transform_0, window_bounds = array<i64: 1, 512, 256>}, {transform_indices = @transform_1, window_bounds = array<i64: 1, 1024, 256>}, {pipeline_mode = #tpu.pipeline_mode<synchronous>, transform_indices = @transform_2, window_bounds = array<i64: 1, 1024>}, {transform_indices = @transform_3, window_bounds = array<i64: 1, 512, 1024>}]} {
    %get3A = arith.constant 0 : index
    %get3A_0 = arith.constant 0 : index
    %get3A_1 = arith.constant 0 : index
    %get3A_2 = vector.load %arg2[%get3A, %get3A_0, %get3A_1] : memref<1x512x256xbf16, #tpu.memory_space<vmem>>, vector<1x512x256xbf16>
    %get3A_3 = vector.shape_cast %get3A_2 : vector<1x512x256xbf16> to vector<512x256xbf16>
    %get3A_4 = arith.constant 0 : index
    %get3A_5 = arith.constant 0 : index
    %get3A_6 = arith.constant 0 : index
    %get3A_7 = vector.load %arg3[%get3A_4, %get3A_5, %get3A_6] : memref<1x1024x256xbf16, #tpu.memory_space<vmem>>, vector<1x1024x256xbf16>
    %get3A_8 = vector.shape_cast %get3A_7 : vector<1x1024x256xbf16> to vector<1024x256xbf16>
    %dot_general3A = arith.constant dense<0.000000e+00> : vector<512x1024xf32>
    %dot_general3A_9 = tpu.matmul %get3A_3, %get3A_8, %dot_general3A {dimension_numbers = #tpu.dot_dimension_numbers<[1], [1], [0], [0], [0, 0, 1, 0], [], []>, transpose_lhs_hint = false} : vector<512x256xbf16>, vector<1024x256xbf16>, vector<512x1024xf32> -> vector<512x1024xf32>
    %get3A_10 = arith.constant 0 : index
    %get3A_11 = arith.constant 0 : index
    %get3A_12 = vector.load %arg4[%get3A_10, %get3A_11] : memref<1x1024xf32, #tpu.memory_space<vmem>>, vector<1x1024xf32>
    %get3A_13 = vector.shape_cast %get3A_12 : vector<1x1024xf32> to vector<1024xf32>
    %broadcast_in_dim3A = vector.shape_cast %get3A_13 : vector<1024xf32> to vector<1x1024xf32>
    %add3A = vector.broadcast %broadcast_in_dim3A : vector<1x1024xf32> to vector<512x1024xf32>
    %add3A_14 = arith.addf %dot_general3A_9, %add3A : vector<512x1024xf32>
    %neg3A = arith.constant 0.000000e+00 : f32
    %neg3A_15 = vector.broadcast %neg3A : f32 to vector<512x1024xf32>
    %neg3A_16 = arith.subf %neg3A_15, %add3A_14 : vector<512x1024xf32>
    %exp3A = math.exp %neg3A_16 : vector<512x1024xf32>
    %add3A_17 = arith.constant 1.000000e+00 : f32
    %add3A_18 = vector.broadcast %add3A_17 : f32 to vector<512x1024xf32>
    %add3A_19 = arith.addf %add3A_18, %exp3A : vector<512x1024xf32>
    %div3A = arith.constant 1.000000e+00 : f32
    %div3A_20 = vector.broadcast %div3A : f32 to vector<512x1024xf32>
    %div3A_21 = arith.divf %div3A_20, %add3A_19 : vector<512x1024xf32>
    %swap3A = arith.constant 0 : index
    %swap3A_22 = arith.constant 0 : index
    %swap3A_23 = arith.constant 0 : index
    %swap3A_24 = vector.load %arg5[%swap3A, %swap3A_22, %swap3A_23] : memref<1x512x1024xf32, #tpu.memory_space<vmem>>, vector<1x512x1024xf32>
    %swap3A_25 = vector.shape_cast %swap3A_24 : vector<1x512x1024xf32> to vector<512x1024xf32>
    %swap3A_26 = vector.shape_cast %div3A_21 : vector<512x1024xf32> to vector<1x512x1024xf32>
    tpu.vector_store %arg5[%swap3A, %swap3A_22, %swap3A_23], %swap3A_26 {strides = array<i32>} : memref<1x512x1024xf32, #tpu.memory_space<vmem>>, vector<1x512x1024xf32>,
    return
  }
  func.func @transform_0(%arg0: i32, %arg1: i32) -> (i32, i32, i32) {
    %c0_i32 = arith.constant 0 : i32
    %c0_i32_0 = arith.constant 0 : i32
    return %arg0, %arg1, %c0_i32 : i32, i32, i32
  }
  func.func @transform_1(%arg0: i32, %arg1: i32) -> (i32, i32, i32) {
    %c0_i32 = arith.constant 0 : i32
    %c0_i32_0 = arith.constant 0 : i32
    %c0_i32_1 = arith.constant 0 : i32
    return %arg0, %c0_i32, %c0_i32_0 : i32, i32, i32
  }
  func.func @transform_2(%arg0: i32, %arg1: i32) -> (i32, i32) {
    %c0_i32 = arith.constant 0 : i32
    %c0_i32_0 = arith.constant 0 : i32
    %c0_i32_1 = arith.constant 0 : i32
    return %c0_i32, %c0_i32_0 : i32, i32
  }
  func.func @transform_3(%arg0: i32, %arg1: i32) -> (i32, i32, i32) {
    %c0_i32 = arith.constant 0 : i32
    %c0_i32_0 = arith.constant 0 : i32
    return %arg0, %arg1, %c0_i32 : i32, i32, i32
  }
}

</mosaic_0001>

<sc_bundles>
// kernel: kernel.6.cloned.1.call-start
scs
__scs_entry_jumppad:
0x0: {  	(pc) =	sbr.rel $0x88, $3  }
0x1: {  	(tag) =	ssettag $0x0;
	lr =	simm.s32 $0x1  }
0x2: {  	[smem:$0x3F9B] =	sst lr;
	_ =	strace $0xD0000000  }
0x3: {  	_ = 	snop  }
0x4: {  	_ = 	snop  }
0x5: {  	_ = 	snop  }
0x6: {  	_ = 	snop  }
0x7: {  	_ = 	snop  }
__scs_overlays_trampoline_lowered:
0x8: {  	[smem:$0x3FAA] =	sst s0  }
0x9: {  	[smem:$0x3FAB] =	sst s1  }
0xa: {  	[smem:$0x3FAC] =	sst s2  }
0xb: {  	[smem:$0x3FAD] =	sst s3  }
0xc: {  	[smem:$0x3FAE] =	sst s4  }
0xd: {  	[smem:$0x3FAF] =	sst s5  }
0xe: {  	[smem:$0x3FB0] =	sst s6  }
0xf: {  	[smem:$0x3FB1] =	sst s7  }
0x10: {  	[smem:$0x3FB2] =	sst s8  }
0x11: {  	[smem:$0x3FB3] =	sst s9;
	s0 =	simm.s32 @!p0 $0x0  }
0x12: {  	s1 =	sld [smem:$0x3F99];
	s0 =	simm.s32 @p0 $0x1  }
0x13: {  	[smem:$0x3FB4] =	sst s0;
	s0 =	simm.s32 @!p1 $0x0  }
0x14: {  	s2 =	sld [smem:$0x3F98];
	s0 =	simm.s32 @p1 $0x1  }
0x15: {  	[smem:$0x3FB5] =	sst s0;
	s0 =	simm.s32 @!p2 $0x0  }
0x16: {  	s3 =	sld [smem:$0x3FDB];
	s0 =	simm.s32 @p2 $0x1  }
0x17: {  	s4 =	simm.s32 $0x1BF5;
	[smem:$0x3FB7] =	sst s0  }
0x18: {  	s0 =	sld [smem:$0x3F9A];
	_ =	swait.ge [sflag:s4], $0x0  }
0x19: {  	s7 =	sld [smem:$0x3F9B]  }
0x1a: {  	s8 =	sadd.s32 $0xFFFFE003, lr  }
0x1b: {  	s9 =	sadd.s32 $0xFFFFFEF7, lr;
	s5 =	simm.s32 $0xFFFFFFFF;
	p2 =	slt.u32 s8, $0xFFFFF086  }
0x1c: {  	p1 =	slt.u32 s9, $0xF7A;
	s5 =	simm.s32 @!p2 $0x0  }
0x1d: {  	s5 =	simm.s32 @p1 $0x1;
	p0 =	seq.s32 s7, s2  }
0x1e: {  	s7 =	smul.u32 @!p0 $0xF7A, s2;
	p2 =	seq.s32 @!p0 s5, $0x0  }
0x1f: {  	s9 =	smul.u32 $0xF7A, s1;
	s8 =	simm.s32 @!p0 $0x1BF5;
	p2 =	por !p2, p0  }
0x20: {  	[sflag:s8] =	ssyncset.s32 @!p0 $0xFFFFF086;
	s6 =	sadd.s32 @!p0 s3, s7;
	s7 =	simm.s32 @!p0 $0x108  }
0x21: {  	s3 =	sadd.s32 s3, s9;
	s6 =	sadd.s32 @!p0 $0x88, s6;
	s7 =	simm.s32 @p2 $0x1082  }
0x22: {  	[simem:s7], [sflag:s8] =	dma.local @!p0 [hbm:s6], $0xF7A  }
0x23: {  	s9 =	sor.u32 $0xD0000000, s2;
	s6 =	simm.s32 $0x108;
	_ =	swait.ge @!p0 [sflag:s8], $0x0  }
0x24: {  	s3 =	sadd.s32 $0x88, s3;
	s6 =	simm.s32 @!p1 $0x1082;
	[sflag:s4] =	ssyncset.s32 $0xFFFFF086  }
0x25: {  	[simem:s6], [sflag:s4] =	dma.local [hbm:s3], $0xF7A  }
0x26: {  	[smem:$0x3F9B] =	sst s1;
	(tag) =	ssettag s2;
	_ =	strace s9  }
0x27: {  	s1 =	sld [smem:$0x3FAB]  }
0x28: {  	s2 =	sld [smem:$0x3FAC]  }
0x29: {  	s4 =	sld [smem:$0x3FAE]  }
0x2a: {  	p0 =	seq.s32 s5, $0x0;
	s5 =	sld [smem:$0x3FAF]  }
0x2b: {  	s6 =	sld [smem:$0x3FB0]  }
0x2c: {  	s7 =	sld [smem:$0x3FB1]  }
0x2d: {  	s3 =	simm.s32 $0x108;
	s8 =	sld [smem:$0x3FB2]  }
0x2e: {  	s3 =	simm.s32 @!p0 $0x1082;
	s9 =	sld [smem:$0x3FB3]  }
0x2f: {  	lr =	sadd.s32 s0, s3;
	s0 =	sld [smem:$0x3FAA]  }
0x30: {  	s3 =	sld [smem:$0x3FAD]  }
0x31: {  	[smem:$0x3FB6] =	sst s10  }
0x32: {  	s10 =	sld [smem:$0x3FB4];
	_ =	sdelay $0x3  }
0x33: {  	p0 =	seq.s32 s10, $0x1;
	s10 =	sld [smem:$0x3FB6];
	_ =	sdelay $0x3  }
0x34: {  	[smem:$0x3FB6] =	sst s10  }
0x35: {  	s10 =	sld [smem:$0x3FB5];
	_ =	sdelay $0x3  }
0x36: {  	p1 =	seq.s32 s10, $0x1;
	s10 =	sld [smem:$0x3FB6];
	_ =	sdelay $0x3  }
0x37: {  	[smem:$0x3FB6] =	sst s10  }
0x38: {  	s10 =	sld [smem:$0x3FB7]  }
0x39: {  	_ = 	snop;
	(pc) =	sbr.ind lr, $3  }
0x3a: {  	_ = 	snop  }
0x3b: {  	_ = 	snop  }
0x3c: {  	p2 =	seq.s32 s10, $0x1;
	s10 =	sld [smem:$0x3FB6]  }
0x3d: {  	_ =	shalt  }
0x3e: {  	_ =	shalt  }
0x3f: {  	_ =	shalt  }
0x40: {  	_ =	shalt  }
0x41: {  	_ =	shalt  }
0x42: {  	_ =	shalt  }
0x43: {  	_ =	shalt  }
0x44: {  	_ =	shalt  }
0x45: {  	_ =	shalt  }
0x46: {  	_ =	shalt  }
0x47: {  	_ =	shalt  }
0x48: {  	_ =	shalt  }
0x49: {  	_ =	shalt  }
0x4a: {  	_ =	shalt  }
0x4b: {  	_ =	shalt  }
0x4c: {  	_ =	shalt  }
0x4d: {  	_ =	shalt  }
0x4e: {  	_ =	shalt  }
0x4f: {  	_ =	shalt  }
0x50: {  	_ =	shalt  }
0x51: {  	_ =	shalt  }
0x52: {  	_ =	shalt  }
0x53: {  	_ =	shalt  }
0x54: {  	_ =	shalt  }
0x55: {  	_ =	shalt  }
0x56: {  	_ =	shalt  }
0x57: {  	_ =	shalt  }
0x58: {  	_ =	shalt  }
0x59: {  	_ =	shalt  }
0x5a: {  	_ =	shalt  }
0x5b: {  	_ =	shalt  }
0x5c: {  	_ =	shalt  }
0x5d: {  	_ =	shalt  }
0x5e: {  	_ =	shalt  }
0x5f: {  	_ =	shalt  }
0x60: {  	_ =	shalt  }
0x61: {  	_ =	shalt  }
0x62: {  	_ =	shalt  }
0x63: {  	_ =	shalt  }
0x64: {  	_ =	shalt  }
0x65: {  	_ =	shalt  }
0x66: {  	_ =	shalt  }
0x67: {  	_ =	shalt  }
0x68: {  	_ =	shalt  }
0x69: {  	_ =	shalt  }
0x6a: {  	_ =	shalt  }
0x6b: {  	_ =	shalt  }
0x6c: {  	_ =	shalt  }
0x6d: {  	_ =	shalt  }
0x6e: {  	_ =	shalt  }
0x6f: {  	_ =	shalt  }
0x70: {  	_ =	shalt  }
0x71: {  	_ =	shalt  }
0x72: {  	_ =	shalt  }
0x73: {  	_ =	shalt  }
0x74: {  	_ =	shalt  }
0x75: {  	_ =	shalt  }
0x76: {  	_ =	shalt  }
0x77: {  	_ =	shalt  }
0x78: {  	_ =	shalt  }
0x79: {  	_ =	shalt  }
0x7a: {  	_ =	shalt  }
0x7b: {  	_ =	shalt  }
0x7c: {  	_ =	shalt  }
0x7d: {  	_ =	shalt  }
0x7e: {  	_ =	shalt  }
0x7f: {  	_ =	shalt  }
0x80: {  	_ =	shalt  }
0x81: {  	_ =	shalt  }
0x82: {  	_ =	shalt  }
0x83: {  	_ =	shalt  }
0x84: {  	_ =	shalt  }
0x85: {  	_ =	shalt  }
0x86: {  	_ =	shalt  }
0x87: {  	_ =	shalt  }
.Lfunc_end0:
.L_simem_size_0:
called_computation_lowered:
.L_overlay_start_0:
0x88: {  	s2 =	sld [smem:$0x3FD9]  }
0x89: {  	s3 =	sld [smem:$0x3FFE];
	_ =	sdelay $0x1  }
0x8a: {  	s1 =	srdreg.scid  }
0x8b: {  	s0 =	sand.u32 $0x1, s1  }
0x8c: {  	s17 =	sshll.u32 s0, $0xA;
	s2 =	sadd.s32 s3, s2  }
0x8d: {  	s2 =	sadd.s32 s2, s17  }
0x8e: {  	[smem:$0x3FC2] =	sst s2  }
0x8f: {  	_ = 	snop  }
0x90: {  	s2 =	sld [smem:$0x3FD0];
	(tm) =	ssettm $0x1  }
0x91: {  	s18 =	sld [smem:$0x3FFB];
	_ =	sdelay $0x3  }
0x92: {  	_ =	strace s18  }
0x93: {  	s3 =	sld [smem:$0x3FFC];
	_ =	sdelay $0x3  }
0x94: {  	_ =	strace s3  }
0x95: {  	s3 =	sld [smem:$0x3FFD];
	_ =	sdelay $0x3  }
0x96: {  	_ =	strace s3  }
0x97: {  	_ =	strace $0x8FFFFFFF  }
0x98: {  	s19 =	sld [smem:$0x3FDB];
	_ =	sdelay $0x1  }
0x99: {  	s4 =	simm.s32 $_scs_section_size  }
0x9a: {  	s5 =	simm.s32 $_size__tile_overlayer_lowered;
	s6 =	simm.s32 $_tile_overlayer_lowered  }
0x9b: {  	s22 =	simm.s32 $0x1BFF;
	s21 =	sshll.u32 s6, $0x1;
	s3 =	sadd.s32 s4, s19  }
0x9c: {  	s7 =	simm.s32 $0x0;
	s20 =	sshll.u32 s5, $0x1;
	s5 =	sadd.s32 s21, s3  }
0x9d: {  	[timem:s7], [sflag:s22] =	dma.local [hbm:s5], s20  }
0x9e: {  	_ =	swait.ge [sflag:s22], s20  }
0x9f: {  	s4 =	ssub.s32 $0x0, s20;
	[sflag:s22] =	ssyncset.done $0x0  }
0xa0: {  	[sflag:s22] =	ssyncadd.s32 s4;
	_ =	sdelay $0x1  }
0xa1: {  	s23 =	simm.s32 $0x1B8B  }
0xa2: {  	_ =	swait.ge [sflag:s23], $0x1  }
0xa3: {  	[sflag:s23] =	ssyncset.done $0x0  }
0xa4: {  	s25 =	simm.s32 $0x1B8E;
	s24 =	sld [smem:$0x3FFE];
	[sflag:s23] =	ssyncadd.s32 $0xFFFFFFFF  }
0xa5: {  	s26 =	simm.s32 $execute0_lowered;
	[smem:$0x3FD2] =	sst s25  }
0xa6: {  	s5 =	sshll.u32 s26, $0x1;
	_ =	strace $0x80000046;
	[dreg:$0x1] =	wrdreg $0xFFFFFFFF  }
0xa7: {  	s28 =	simm.s32 $_size_execute0_lowered;
	s3 =	sadd.s32 s3, s5;
	[dreg:$0x0] =	wrdreg $0x0  }
0xa8: {  	s5 =	sshll.u32 s28, $0x1;
	[dreg:$0x2] =	wrdreg s3  }
0xa9: {  	[dreg:$0x3] =	wrdreg s5  }
0xaa: {  	[dreg:$0x4] =	wrdreg $0xC0  }
0xab: {  	_ =	task [dreg:s7], $0x5FFFF  }
0xac: {  	[dreg:$0x1] =	wrdreg $0xFFFFFFFF  }
0xad: {  	[dreg:$0x0] =	wrdreg $0x60  }
0xae: {  	[dreg:$0x2] =	wrdreg s24  }
0xaf: {  	[dreg:$0x3] =	wrdreg s2  }
0xb0: {  	[dreg:$0x4] =	wrdreg $0x40000  }
0xb1: {  	[dreg:$0x5] =	wrdreg $0x140000  }
0xb2: {  	[dreg:$0x6] =	wrdreg $0x9  }
0xb3: {  	_ =	task.clear_ibuf [dreg:s7], $0x7FFFF;
	_ =	strace $0x90000046  }
0xb4: {  	s29 =	simm.s32 $0x9;
	_ =	strace $0x80000048  }
0xb5: {  	_ =	swait.ge [sflag:s29], $0x1  }
0xb6: {  	[sflag:s29] =	ssyncadd.s32 $0xFFFFFFFF  }
0xb7: {  	_ =	strace $0x90000048  }
0xb8: {  	_ =	sfence  }
0xb9: {  	s30 =	sld [smem:$0x0];
	_ =	sdelay $0x2  }
0xba: {  	s31 =	sshll.u32 s1, $0xD;
	s1 =	sshrl.u32 s1, $0x2  }
0xbb: {  	s3 =	sand.u32 $0x4000, s31;
	s1 =	sadd.s32 s1, s30  }
0xbc: {  	s0 =	sor.u32 s3, s0;
	s1 =	sshll.u32 s1, $0x11  }
0xbd: {  	s0 =	sor.u32 s1, s0  }
0xbe: {  	s0 =	sadd.s32 $0x8F2B, s0  }
0xbf: {  	[sflag:s0] =	ssyncadd.remote.s32 $0x1  }
0xc0: {  	_ =	sfence.sel $0xFFFF  }
0xc1: {  	[dreg:$0x0] =	wrdreg $0xFFFFFFFF;
	(pc) =	sbr.abs _section_cstart, $3  }
0xc2: {  	[dreg:$0x1] =	wrdreg $0xFFFFFFFF  }
0xc3: {  	_ =	task.clear_ibuf [dreg:s7], $0x2FFFF;
	_ =	strace $0x9FFFFFFF  }
0xc4: {  	(tm) =	ssettm $0x7FFFFFFF  }
0xc5: {  	_ =	shalt  }
tec
execute0_lowered:
.L_overlay_start_1:
0x0: {  	(tag) =	ssettag $0x1  }
0x1: {  	s0 =	rddreg [dreg:$0x0]  }
0x2: {  	s1 =	rddreg [dreg:$0x1]  }
0x3: {  	s15 =	rddreg [dreg:$0x2]  }
0x4: {  	s2 =	rddreg [dreg:$0x3];
	s4 =	srdreg.scid  }
0x5: {  	s3 =	simm.s32 $0x0;
	s14 =	stileid.u32;
	s31 =	simm.s32 $0x1  }
0x6: {  	s4 =	sand.u32 $0x1, s4;
	[smem:$0x7FF] =	sst s3;
	s6 =	sadd.s32 $0x1400, s0  }
0x7: {  	s8 =	sadd.s32 $0x11400, s0;
	s9 =	sshll.u32 s14, $0x10;
	s10 =	sshll.u32 s14, $0xD  }
0x8: {  	s0 =	sadd.s32 $0x1410, s0;
	p0 =	sne.s32 s14, $0x0;
	s5 =	ssub.s32 $0x2, s4  }
0x9: {  	_ =	strace $0x80000047;
	s11 =	sshll.u32 s4, $0x12;
	s12 =	sshll.u32 s4, $0x15  }
0xa: {  	s26 =	sshllo.u32 s4, $0x1;
	s4 =	sshll.u32 s4, $0x5;
	s7 =	sshrl.u32 s5, $0x1  }
0xb: {  	s11 =	sor.u32 s10, s11;
	s12 =	sor.u32 s9, s12;
	s16 =	sshll.u32 s26, $0x11  }
0xc: {  	s17 =	sshll.u32 s26, $0x14;
	s4 =	sadd.s32 s8, s4;
	s20 =	sshll.u32 s26, $0x4  }
0xd: {  	s7 =	ssub.s32 s5, s7;
	s5 =	sadd.s32 s9, s15;
	s11 =	sshrl.u32 s11, $0x3  }
0xe: {  	s12 =	sshrl.u32 s12, $0x3;
	s10 =	sor.u32 s10, s16;
	[dreg:$0x8] =	wrdreg s4  }
0xf: {  	s9 =	sor.u32 s9, s17;
	s21 =	sadd.s32 s8, s20;
	s13 =	sadd.s32 s11, s0  }
0x10: {  	s11 =	sadd.s32 s6, s11;
	s12 =	sadd.s32 s1, s12;
	s18 =	sshrl.u32 s10, $0x3  }
0x11: {  	s19 =	sshrl.u32 s9, $0x3;
	[dreg:$0xc] =	wrdreg s21;
	s22 =	smax.u32 s7, $0x1  }
0x12: {  	s16 =	sadd.s32 $0x1000, s5;
	s17 =	sadd.s32 $0x2000, s5;
	[dreg:$0x5] =	wrdreg s13  }
0x13: {  	s23 =	sadd.s32 $0x3000, s5;
	s24 =	sadd.s32 $0x4000, s5;
	[dreg:$0x6] =	wrdreg s11  }
0x14: {  	s25 =	sadd.s32 $0x5000, s5;
	s26 =	sadd.s32 $0x6000, s5;
	[dreg:$0x7] =	wrdreg s12  }
0x15: {  	s21 =	sadd.s32 $0x7000, s5;
	s28 =	sadd.s32 $0xD000, s5;
	[dreg:$0xd] =	wrdreg s22  }
0x16: {  	s29 =	sadd.s32 $0xE000, s5;
	s30 =	sadd.s32 $0xF000, s5;
	[dreg:$0xe] =	wrdreg s23  }
0x17: {  	s7 =	simm.s32 $0x800;
	s9 =	simm.s32 $0x3800;
	[dreg:$0xf] =	wrdreg s24  }
0x18: {  	s0 =	sadd.s32 s18, s0;
	s4 =	sadd.s32 s6, s18;
	[dreg:$0x10] =	wrdreg s25  }
0x19: {  	[dreg:$0x11] =	wrdreg s26;
	s22 =	sadd.s32 $0x8000, s5;
	s23 =	sadd.s32 $0x9000, s5  }
0x1a: {  	s24 =	sadd.s32 $0xA000, s5;
	s25 =	sadd.s32 $0xB000, s5;
	[dreg:$0x9] =	wrdreg s0  }
0x1b: {  	s26 =	sadd.s32 $0xC000, s5;
	[dreg:$0xa] =	wrdreg s4;
	s0 =	sadd.s32 s1, s19  }
0x1c: {  	v0 =	vimm.f32 $0.0e+00;
	s11 =	simm.s32 $0x0;
	s4 =	simm.s32 $0x200;
	[dreg:$0xb] =	wrdreg s0  }
.LBB2_1:
0x1d: {  	s0 =	simm.s32 $0x40;
	s1 =	simm.s32 $0x0  }
.LBB2_2:
0x1e: {  	p1 =	sne.s32 s0, $0x3FC0;
	[tilespmem:s1+$0x0] =	vst v0;
	s1 =	smov.u32 s0;
	s0 =	sadd.s32 $0x40, s0  }
.Ltmp0:
0x1f: {  	(pc) =	sbr.rel @p1 .LBB2_2-.Ltmp0, $2  }
0x20: {  	_ =	sdelay $0x2  }
0x21: {  	s1 =	sshra.s32 s1, $0x2  }
0x22: {  	[tilespmem:s1+$0x0] =	vst v0  }
0x23: {  	[spmem:s5] =	stream.linear.scatter [tilespmem:s3], [sflag:$0x1], $0x1000, $0x38;
	[tilespmem:$0x14040] =	vst v63  }
0x24: {  	_ =	swait.ge [sflag:s31], $0x1000  }
0x25: {  	[sflag:s31] =	ssyncset.done $0x0  }
0x26: {  	[sflag:s31] =	ssyncadd.s32 $0xFFFFF000  }
0x27: {  	[spmem:s16] =	stream.linear.scatter [tilespmem:s3], [sflag:$0x1], $0x1000, $0x38;
	[tilespmem:$0x14040] =	vst v63  }
0x28: {  	_ =	swait.ge [sflag:s31], $0x1000  }
0x29: {  	[sflag:s31] =	ssyncset.done $0x0  }
0x2a: {  	[sflag:s31] =	ssyncadd.s32 $0xFFFFF000  }
0x2b: {  	[spmem:s17] =	stream.linear.scatter [tilespmem:s3], [sflag:$0x1], $0x1000, $0x38;
	[tilespmem:$0x14040] =	vst v63  }
0x2c: {  	_ =	swait.ge [sflag:s31], $0x1000  }
0x2d: {  	[sflag:s31] =	ssyncset.done $0x0  }
0x2e: {  	s0 =	rddreg [dreg:$0xe];
	[sflag:s31] =	ssyncadd.s32 $0xFFFFF000  }
0x2f: {  	[spmem:s0] =	stream.linear.scatter [tilespmem:s3], [sflag:$0x1], $0x1000, $0x38;
	[tilespmem:$0x14040] =	vst v63  }
0x30: {  	_ =	swait.ge [sflag:s31], $0x1000  }
0x31: {  	[sflag:s31] =	ssyncset.done $0x0  }
0x32: {  	s6 =	rddreg [dreg:$0xf];
	[sflag:s31] =	ssyncadd.s32 $0xFFFFF000  }
0x33: {  	[spmem:s6] =	stream.linear.scatter [tilespmem:s3], [sflag:$0x1], $0x1000, $0x38;
	[tilespmem:$0x14040] =	vst v63  }
0x34: {  	_ =	swait.ge [sflag:s31], $0x1000  }
0x35: {  	[sflag:s31] =	ssyncset.done $0x0  }
0x36: {  	s8 =	rddreg [dreg:$0x10];
	[sflag:s31] =	ssyncadd.s32 $0xFFFFF000  }
0x37: {  	[spmem:s8] =	stream.linear.scatter [tilespmem:s3], [sflag:$0x1], $0x1000, $0x38;
	[tilespmem:$0x14040] =	vst v63  }
0x38: {  	_ =	swait.ge [sflag:s31], $0x1000  }
0x39: {  	[sflag:s31] =	ssyncset.done $0x0  }
0x3a: {  	s10 =	rddreg [dreg:$0x11];
	[sflag:s31] =	ssyncadd.s32 $0xFFFFF000  }
0x3b: {  	[spmem:s10] =	stream.linear.scatter [tilespmem:s3], [sflag:$0x1], $0x1000, $0x38;
	[tilespmem:$0x14040] =	vst v63  }
0x3c: {  	_ =	swait.ge [sflag:s31], $0x1000  }
0x3d: {  	[sflag:s31] =	ssyncset.done $0x0  }
0x3e: {  	[sflag:s31] =	ssyncadd.s32 $0xFFFFF000  }
0x3f: {  	[spmem:s21] =	stream.linear.scatter [tilespmem:s3], [sflag:$0x1], $0x1000, $0x38;
	[tilespmem:$0x14040] =	vst v63  }
0x40: {  	_ =	swait.ge [sflag:s31], $0x1000  }
0x41: {  	[sflag:s31] =	ssyncset.done $0x0  }
0x42: {  	[sflag:s31] =	ssyncadd.s32 $0xFFFFF000  }
0x43: {  	[spmem:s22] =	stream.linear.scatter [tilespmem:s3], [sflag:$0x1], $0x1000, $0x38;
	[tilespmem:$0x14040] =	vst v63  }
0x44: {  	_ =	swait.ge [sflag:s31], $0x1000  }
0x45: {  	[sflag:s31] =	ssyncset.done $0x0  }
0x46: {  	[sflag:s31] =	ssyncadd.s32 $0xFFFFF000  }
0x47: {  	[spmem:s23] =	stream.linear.scatter [tilespmem:s3], [sflag:$0x1], $0x1000, $0x38;
	[tilespmem:$0x14040] =	vst v63  }
0x48: {  	_ =	swait.ge [sflag:s31], $0x1000  }
0x49: {  	[sflag:s31] =	ssyncset.done $0x0  }
0x4a: {  	[sflag:s31] =	ssyncadd.s32 $0xFFFFF000  }
0x4b: {  	[spmem:s24] =	stream.linear.scatter [tilespmem:s3], [sflag:$0x1], $0x1000, $0x38;
	[tilespmem:$0x14040] =	vst v63  }
0x4c: {  	_ =	swait.ge [sflag:s31], $0x1000  }
0x4d: {  	[sflag:s31] =	ssyncset.done $0x0  }
0x4e: {  	[sflag:s31] =	ssyncadd.s32 $0xFFFFF000  }
0x4f: {  	[spmem:s25] =	stream.linear.scatter [tilespmem:s3], [sflag:$0x1], $0x1000, $0x38;
	[tilespmem:$0x14040] =	vst v63  }
0x50: {  	_ =	swait.ge [sflag:s31], $0x1000  }
0x51: {  	[sflag:s31] =	ssyncset.done $0x0  }
0x52: {  	[sflag:s31] =	ssyncadd.s32 $0xFFFFF000  }
0x53: {  	[spmem:s26] =	stream.linear.scatter [tilespmem:s3], [sflag:$0x1], $0x1000, $0x38;
	[tilespmem:$0x14040] =	vst v63  }
0x54: {  	_ =	swait.ge [sflag:s31], $0x1000  }
0x55: {  	[sflag:s31] =	ssyncset.done $0x0  }
0x56: {  	[sflag:s31] =	ssyncadd.s32 $0xFFFFF000  }
0x57: {  	[spmem:s28] =	stream.linear.scatter [tilespmem:s3], [sflag:$0x1], $0x1000, $0x38;
	[tilespmem:$0x14040] =	vst v63  }
0x58: {  	_ =	swait.ge [sflag:s31], $0x1000  }
0x59: {  	[sflag:s31] =	ssyncset.done $0x0  }
0x5a: {  	[sflag:s31] =	ssyncadd.s32 $0xFFFFF000  }
0x5b: {  	[spmem:s29] =	stream.linear.scatter [tilespmem:s3], [sflag:$0x1], $0x1000, $0x38;
	[tilespmem:$0x14040] =	vst v63  }
0x5c: {  	_ =	swait.ge [sflag:s31], $0x1000  }
0x5d: {  	[sflag:s31] =	ssyncset.done $0x0  }
0x5e: {  	[sflag:s31] =	ssyncadd.s32 $0xFFFFF000  }
0x5f: {  	[spmem:s30] =	stream.linear.scatter [tilespmem:s3], [sflag:$0x1], $0x1000, $0x38;
	[tilespmem:$0x14040] =	vst v63  }
0x60: {  	_ =	swait.ge [sflag:s31], $0x1000  }
0x61: {  	[sflag:s31] =	ssyncset.done $0x0  }
0x62: {  	s0 =	simm.s32 @!p0 $0x0;
	[sflag:s31] =	ssyncadd.s32 $0xFFFFF000  }
0x63: {  	[spmem:s2] =	stream.linear.scatter @!p0 [tilespmem:s0], [sflag:$0x1], $0x400, $0x38;
	[tilespmem:$0x14040] =	vst v63  }
0x64: {  	s0 =	simm.s32 @!p0 $0x1  }
0x65: {  	_ =	swait.ge @!p0 [sflag:s0], $0x400  }
0x66: {  	s13 =	simm.s32 $0x100;
	[sflag:s0] =	ssyncset.done @!p0 $0x0  }
0x67: {  	s6 =	simm.s32 $0x1000;
	s12 =	rddreg [dreg:$0x5];
	[sflag:s0] =	ssyncadd.s32 @!p0 $0xFFFFFC00  }
0x68: {  	[tilespmem:s6], [sflag:$0x1] =	stream.strided.gather [hbm4b:s12+s13], $0x1000, s4, s13, $0x38;
	[tilespmem:$0x14040] =	vst v63  }
0x69: {  	_ =	swait.ge [sflag:s31], $0x1000  }
0x6a: {  	s18 =	simm.s32 $0x80;
	[sflag:s31] =	ssyncset.done $0x0  }
0x6b: {  	s12 =	simm.s32 $0x2000;
	s14 =	rddreg [dreg:$0x6];
	[sflag:s31] =	ssyncadd.s32 $0xFFFFF000  }
0x6c: {  	[tilespmem:s12], [sflag:$0x1] =	stream.strided.gather [hbm4b:s14+s18], $0x800, s4, s18, $0x38;
	[tilespmem:$0x14040] =	vst v63  }
0x6d: {  	s19 =	simm.s32 $0x0;
	_ =	swait.ge [sflag:s31], $0x800  }
0x6e: {  	s20 =	sand.u32 $0x70, s19;
	s0 =	sand.u32 $0xF00, s19;
	[sflag:s31] =	ssyncset.done $0x0  }
0x6f: {  	s0 =	sor.u32 s20, s0;
	[sflag:s31] =	ssyncadd.s32 $0xFFFFF800  }
0x70: {  	v1 =	vld [tilespmem:s0+$0x1000]  }
0x71: {  	v2 =	vld [tilespmem:s0+$0x1080];
	_ =	sdelay $0x3  }
0x72: {  	v1 =	vtrunc.f32 v1  }
0x73: {  	v2 =	vtrunc.f32 v2;
	v1 =	vcvt.f32.s32 v1  }
0x74: {  	v2 =	vcvt.f32.s32 v2  }
0x75: {  	v3 =	vshll.u32 v1, $0xA;
	v4 =	vshll.u32 v1, $0x7  }
0x76: {  	v5 =	vshll.u32 v2, $0x3;
	v3 =	vand.u32 $0xFFFFE000, v3;
	v4 =	vand.u32 $0x380, v4  }
0x77: {  	v6 =	vld [tilespmem:s12+$0x0];
	v7 =	vand.u32 $0x7F, v2;
	v5 =	vand.u32 $0xFFFFFC00, v5;
	v3 =	vor.u32 v3, v4  }
0x78: {  	v2 =	vand.u32 $0xFFFFFC00, v2;
	v63 =	vadd.s32 $0xFFFFC000, v5;
	v3 =	vor.u32 v7, v3  }
0x79: {  	vm0 =	veq.s32 v2, $0x800;
	v2 =	vor.u32 v63, v3  }
0x7a: {  	s1 =	simm.s32 $0x2800;
	v2 =	vnsel vm0, $0x0, v2  }
0x7b: {  	s8 =	simm.s32 $0x20;
	s10 =	simm.s32 $0x10;
	s0 =	simm.s32 $0x3000;
	v1 =	vnsel vm0, $0x0, v1;
	[tilespmem:s1+$0x0] =	vst v2  }
0x7c: {  	s10 =	sand.u32 $0x70, s10;
	s6 =	simm.s32 $0x3800;
	s13 =	sand.u32 $0xF00, s8;
	v2 =	vnsel vm0, $0x0, v6;
	[tilespmem:s0+$0x0] =	vst v1  }
0x7d: {  	s13 =	sor.u32 s10, s13;
	[tilespmem:s6+$0x0] =	vst v2  }
0x7e: {  	s10 =	simm.s32 $0x20;
	v1 =	vld [tilespmem:s13+$0x1000]  }
.LBB2_4:
0x7f: {  	p1 =	sne.s32 s10, $0x7F0;
	v2 =	vld [tilespmem:s13+$0x1080];
	s12 =	sadd.s32 $0x10, s12  }
0x80: {  	v3 =	vld [tilespmem:s12+$0x0];
	_ =	sdelay $0x2  }
0x81: {  	v1 =	vtrunc.f32 v1  }
0x82: {  	v1 =	vcvt.f32.s32 v1;
	v2 =	vtrunc.f32 v2  }
0x83: {  	v2 =	vcvt.f32.s32 v2  }
0x84: {  	v4 =	vshll.u32 v1, $0xA;
	v5 =	vshll.u32 v1, $0x7  }
0x85: {  	v4 =	vand.u32 $0xFFFFE000, v4;
	v6 =	vshll.u32 v2, $0x3;
	v5 =	vand.u32 $0x380, v5  }
0x86: {  	v7 =	vand.u32 $0x7F, v2;
	v6 =	vand.u32 $0xFFFFFC00, v6;
	v4 =	vor.u32 v4, v5  }
0x87: {  	v2 =	vand.u32 $0xFFFFFC00, v2;
	v5 =	vadd.s32 $0xFFFFC000, v6;
	v4 =	vor.u32 v7, v4  }
0x88: {  	vm0 =	veq.s32 v2, $0x800;
	v2 =	vor.u32 v5, v4  }
.Ltmp1:
0x89: {  	s1 =	sadd.s32 $0x10, s1;
	v3 =	vnsel vm0, $0x0, v3;
	v2 =	vnsel vm0, $0x0, v2;
	(pc) =	sbr.rel @p1 .LBB2_4-.Ltmp1, $4  }
0x8a: {  	s8 =	sadd.s32 $0x20, s8;
	s0 =	sadd.s32 $0x10, s0;
	v1 =	vnsel vm0, $0x0, v1;
	[tilespmem:s1+$0x0] =	vst v2  }
0x8b: {  	s13 =	sand.u32 $0x70, s10;
	s6 =	sadd.s32 $0x10, s6;
	s14 =	sand.u32 $0xF00, s8;
	[tilespmem:s0+$0x0] =	vst v1  }
0x8c: {  	s13 =	sor.u32 s13, s14;
	[tilespmem:s6+$0x0] =	vst v3  }
0x8d: {  	s10 =	sadd.s32 $0x10, s10;
	v1 =	vld [tilespmem:s13+$0x1000]  }
0x8e: {  	v2 =	vld [tilespmem:s13+$0x1080];
	_ =	sdelay $0x3  }
0x8f: {  	v1 =	vtrunc.f32 v1  }
0x90: {  	v1 =	vcvt.f32.s32 v1;
	v2 =	vtrunc.f32 v2  }
0x91: {  	v2 =	vcvt.f32.s32 v2  }
0x92: {  	v3 =	vshll.u32 v1, $0xA;
	v4 =	vshll.u32 v1, $0x7  }
0x93: {  	s8 =	sadd.s32 $0x10, s12;
	v3 =	vand.u32 $0xFFFFE000, v3;
	v5 =	vshll.u32 v2, $0x3;
	v4 =	vand.u32 $0x380, v4  }
0x94: {  	v6 =	vld [tilespmem:s8+$0x0];
	v7 =	vand.u32 $0x7F, v2;
	v5 =	vand.u32 $0xFFFFFC00, v5;
	v3 =	vor.u32 v3, v4  }
0x95: {  	v2 =	vand.u32 $0xFFFFFC00, v2;
	v58 =	vadd.s32 $0xFFFFC000, v5;
	v3 =	vor.u32 v7, v3  }
0x96: {  	vm0 =	veq.s32 v2, $0x800;
	v2 =	vor.u32 v58, v3  }
0x97: {  	s1 =	sadd.s32 $0x10, s1;
	v2 =	vnsel vm0, $0x0, v2  }
0x98: {  	s0 =	sadd.s32 $0x10, s0;
	v1 =	vnsel vm0, $0x0, v1;
	[tilespmem:s1+$0x0] =	vst v2  }
0x99: {  	s10 =	sadd.s32 $0x10, s6;
	v2 =	vnsel vm0, $0x0, v6;
	[tilespmem:s0+$0x0] =	vst v1  }
0x9a: {  	[tilespmem:s10+$0x0] =	vst v2  }
0x9b: {  	s12 =	simm.s32 $0x2800;
	[bflag:$0x0] =	sbarrier.arrive $0xFFFF  }
0x9c: {  	[spmem:s15] =	stream.indirect.scatter.add.f32 [tilespmem:s9], [sflag:$0x1], $0x1, s12, s7, $0xb8;
	[tilespmem:$0x14040] =	vst v63  }
0x9d: {  	_ =	swait.ge [sflag:s31], $0x800  }
0x9e: {  	[sflag:s31] =	ssyncset.done $0x0  }
0x9f: {  	s13 =	simm.s32 $0x3000;
	[sflag:s31] =	ssyncadd.s32 $0xFFFFF800  }
0xa0: {  	[spmem:s2] =	stream.indirect.scatter.add.f32 [tilespmem:s9], [sflag:$0x1], $0x1, s13, s7, $0xb8;
	[tilespmem:$0x14040] =	vst v63  }
0xa1: {  	_ =	swait.ge [sflag:s31], $0x800  }
0xa2: {  	[sflag:s31] =	ssyncset.done $0x0  }
0xa3: {  	s14 =	stileid.u32;
	[sflag:s31] =	ssyncadd.s32 $0xFFFFF800  }
0xa4: {  	s18 =	smov.u32 s15;
	s0 =	sshll.u32 s14, $0x6;
	[bflag:$0x0] =	sbarrier.arrive $0xFFFF  }
0xa5: {  	s14 =	sshrl.u32 s5, $0x3;
	s12 =	sor.u32 $0x1C01, s0;
	s15 =	rddreg [dreg:$0x7]  }
0xa6: {  	[hbm:s15], [sflag:s12] =	dma.local [spmem:s14], $0x2000  }
0xa7: {  	s6 =	simm.s32 @!p0 $0x10;
	_ =	swait.ge [sflag:s31], $0x2000  }
0xa8: {  	s1 =	simm.s32 @!p0 $0x40;
	s0 =	simm.s32 @!p0 $0x1;
	[sflag:s31] =	ssyncset.done $0x0  }
0xa9: {  	s13 =	sshrl.u32 @!p0 s2, $0x3;
	s8 =	rddreg [dreg:$0x8];
	[sflag:s31] =	ssyncadd.s32 $0xFFFFE000  }
0xaa: {  	[hbm:s8@s1], [sflag:s12] =	dma.strided @!p0 [spmem:s13@s6], $0x80, s0, $0x10   }
0xab: {  	_ =	swait.ge @!p0 [sflag:s0], $0x80  }
0xac: {  	[sflag:s0] =	ssyncset.done @!p0 $0x0  }
0xad: {  	[sflag:s0] =	ssyncadd.s32 @!p0 $0xFFFFFF80  }
0xae: {  	[spmem:s5] =	stream.linear.scatter [tilespmem:s3], [sflag:$0x1], $0x1000, $0x38;
	[tilespmem:$0x14040] =	vst v63  }
0xaf: {  	_ =	swait.ge [sflag:s31], $0x1000  }
0xb0: {  	[sflag:s31] =	ssyncset.done $0x0  }
0xb1: {  	[sflag:s31] =	ssyncadd.s32 $0xFFFFF000  }
0xb2: {  	[spmem:s16] =	stream.linear.scatter [tilespmem:s3], [sflag:$0x1], $0x1000, $0x38;
	[tilespmem:$0x14040] =	vst v63  }
0xb3: {  	_ =	swait.ge [sflag:s31], $0x1000  }
0xb4: {  	[sflag:s31] =	ssyncset.done $0x0  }
0xb5: {  	[sflag:s31] =	ssyncadd.s32 $0xFFFFF000  }
0xb6: {  	[spmem:s17] =	stream.linear.scatter [tilespmem:s3], [sflag:$0x1], $0x1000, $0x38;
	[tilespmem:$0x14040] =	vst v63  }
0xb7: {  	_ =	swait.ge [sflag:s31], $0x1000  }
0xb8: {  	[sflag:s31] =	ssyncset.done $0x0  }
0xb9: {  	s20 =	smov.u32 s17;
	s17 =	rddreg [dreg:$0xe];
	[sflag:s31] =	ssyncadd.s32 $0xFFFFF000  }
0xba: {  	[spmem:s17] =	stream.linear.scatter [tilespmem:s3], [sflag:$0x1], $0x1000, $0x38;
	[tilespmem:$0x14040] =	vst v63  }
0xbb: {  	_ =	swait.ge [sflag:s31], $0x1000  }
0xbc: {  	[sflag:s31] =	ssyncset.done $0x0  }
0xbd: {  	s6 =	rddreg [dreg:$0xf];
	[sflag:s31] =	ssyncadd.s32 $0xFFFFF000  }
0xbe: {  	[spmem:s6] =	stream.linear.scatter [tilespmem:s3], [sflag:$0x1], $0x1000, $0x38;
	[tilespmem:$0x14040] =	vst v63  }
0xbf: {  	_ =	swait.ge [sflag:s31], $0x1000  }
0xc0: {  	[sflag:s31] =	ssyncset.done $0x0  }
0xc1: {  	s8 =	rddreg [dreg:$0x10];
	[sflag:s31] =	ssyncadd.s32 $0xFFFFF000  }
0xc2: {  	[spmem:s8] =	stream.linear.scatter [tilespmem:s3], [sflag:$0x1], $0x1000, $0x38;
	[tilespmem:$0x14040] =	vst v63  }
0xc3: {  	_ =	swait.ge [sflag:s31], $0x1000  }
0xc4: {  	[sflag:s31] =	ssyncset.done $0x0  }
0xc5: {  	s10 =	rddreg [dreg:$0x11];
	[sflag:s31] =	ssyncadd.s32 $0xFFFFF000  }
0xc6: {  	[spmem:s10] =	stream.linear.scatter [tilespmem:s3], [sflag:$0x1], $0x1000, $0x38;
	[tilespmem:$0x14040] =	vst v63  }
0xc7: {  	_ =	swait.ge [sflag:s31], $0x1000  }
0xc8: {  	[sflag:s31] =	ssyncset.done $0x0  }
0xc9: {  	[sflag:s31] =	ssyncadd.s32 $0xFFFFF000  }
0xca: {  	[spmem:s21] =	stream.linear.scatter [tilespmem:s3], [sflag:$0x1], $0x1000, $0x38;
	[tilespmem:$0x14040] =	vst v63  }
0xcb: {  	_ =	swait.ge [sflag:s31], $0x1000  }
0xcc: {  	[sflag:s31] =	ssyncset.done $0x0  }
0xcd: {  	[sflag:s31] =	ssyncadd.s32 $0xFFFFF000  }
0xce: {  	[spmem:s22] =	stream.linear.scatter [tilespmem:s3], [sflag:$0x1], $0x1000, $0x38;
	[tilespmem:$0x14040] =	vst v63  }
0xcf: {  	_ =	swait.ge [sflag:s31], $0x1000  }
0xd0: {  	[sflag:s31] =	ssyncset.done $0x0  }
0xd1: {  	[sflag:s31] =	ssyncadd.s32 $0xFFFFF000  }
0xd2: {  	[spmem:s23] =	stream.linear.scatter [tilespmem:s3], [sflag:$0x1], $0x1000, $0x38;
	[tilespmem:$0x14040] =	vst v63  }
0xd3: {  	_ =	swait.ge [sflag:s31], $0x1000  }
0xd4: {  	[sflag:s31] =	ssyncset.done $0x0  }
0xd5: {  	[sflag:s31] =	ssyncadd.s32 $0xFFFFF000  }
0xd6: {  	[spmem:s24] =	stream.linear.scatter [tilespmem:s3], [sflag:$0x1], $0x1000, $0x38;
	[tilespmem:$0x14040] =	vst v63  }
0xd7: {  	_ =	swait.ge [sflag:s31], $0x1000  }
0xd8: {  	[sflag:s31] =	ssyncset.done $0x0  }
0xd9: {  	[sflag:s31] =	ssyncadd.s32 $0xFFFFF000  }
0xda: {  	[spmem:s25] =	stream.linear.scatter [tilespmem:s3], [sflag:$0x1], $0x1000, $0x38;
	[tilespmem:$0x14040] =	vst v63  }
0xdb: {  	_ =	swait.ge [sflag:s31], $0x1000  }
0xdc: {  	[sflag:s31] =	ssyncset.done $0x0  }
0xdd: {  	[sflag:s31] =	ssyncadd.s32 $0xFFFFF000  }
0xde: {  	[spmem:s26] =	stream.linear.scatter [tilespmem:s3], [sflag:$0x1], $0x1000, $0x38;
	[tilespmem:$0x14040] =	vst v63  }
0xdf: {  	_ =	swait.ge [sflag:s31], $0x1000  }
0xe0: {  	[sflag:s31] =	ssyncset.done $0x0  }
0xe1: {  	[sflag:s31] =	ssyncadd.s32 $0xFFFFF000  }
0xe2: {  	[spmem:s28] =	stream.linear.scatter [tilespmem:s3], [sflag:$0x1], $0x1000, $0x38;
	[tilespmem:$0x14040] =	vst v63  }
0xe3: {  	_ =	swait.ge [sflag:s31], $0x1000  }
0xe4: {  	[sflag:s31] =	ssyncset.done $0x0  }
0xe5: {  	[sflag:s31] =	ssyncadd.s32 $0xFFFFF000  }
0xe6: {  	[spmem:s29] =	stream.linear.scatter [tilespmem:s3], [sflag:$0x1], $0x1000, $0x38;
	[tilespmem:$0x14040] =	vst v63  }
0xe7: {  	_ =	swait.ge [sflag:s31], $0x1000  }
0xe8: {  	[sflag:s31] =	ssyncset.done $0x0  }
0xe9: {  	[sflag:s31] =	ssyncadd.s32 $0xFFFFF000  }
0xea: {  	[spmem:s30] =	stream.linear.scatter [tilespmem:s3], [sflag:$0x1], $0x1000, $0x38;
	[tilespmem:$0x14040] =	vst v63  }
0xeb: {  	_ =	swait.ge [sflag:s31], $0x1000  }
0xec: {  	[sflag:s31] =	ssyncset.done $0x0  }
0xed: {  	s1 =	simm.s32 @!p0 $0x0;
	[sflag:s31] =	ssyncadd.s32 $0xFFFFF000  }
0xee: {  	[spmem:s2] =	stream.linear.scatter @!p0 [tilespmem:s1], [sflag:$0x1], $0x400, $0x38;
	[tilespmem:$0x14040] =	vst v63  }
0xef: {  	_ =	swait.ge @!p0 [sflag:s0], $0x400  }
0xf0: {  	s19 =	smov.u32 s16;
	s16 =	simm.s32 $0x100;
	[sflag:s0] =	ssyncset.done @!p0 $0x0  }
0xf1: {  	s17 =	simm.s32 $0x1000;
	s15 =	rddreg [dreg:$0x9];
	[sflag:s0] =	ssyncadd.s32 @!p0 $0xFFFFFC00  }
0xf2: {  	[tilespmem:s17], [sflag:$0x1] =	stream.strided.gather [hbm4b:s15+s16], $0x1000, s4, s16, $0x38;
	[tilespmem:$0x14040] =	vst v63  }
0xf3: {  	_ =	swait.ge [sflag:s31], $0x1000  }
0xf4: {  	s8 =	simm.s32 $0x80;
	[sflag:s31] =	ssyncset.done $0x0  }
0xf5: {  	s0 =	simm.s32 $0x2000;
	s6 =	rddreg [dreg:$0xa];
	[sflag:s31] =	ssyncadd.s32 $0xFFFFF000  }
0xf6: {  	[tilespmem:s0], [sflag:$0x1] =	stream.strided.gather [hbm4b:s6+s8], $0x800, s4, s8, $0x38;
	[tilespmem:$0x14040] =	vst v63  }
0xf7: {  	s10 =	simm.s32 $0x0;
	_ =	swait.ge [sflag:s31], $0x800  }
0xf8: {  	s1 =	sand.u32 $0xF00, s10;
	s15 =	sand.u32 $0x70, s10;
	[sflag:s31] =	ssyncset.done $0x0  }
0xf9: {  	s1 =	sor.u32 s15, s1;
	[sflag:s31] =	ssyncadd.s32 $0xFFFFF800  }
0xfa: {  	v1 =	vld [tilespmem:s1+$0x1000]  }
0xfb: {  	v2 =	vld [tilespmem:s1+$0x1080];
	_ =	sdelay $0x3  }
0xfc: {  	v1 =	vtrunc.f32 v1  }
0xfd: {  	v2 =	vtrunc.f32 v2;
	v1 =	vcvt.f32.s32 v1  }
0xfe: {  	v2 =	vcvt.f32.s32 v2  }
0xff: {  	v3 =	vshll.u32 v1, $0xA;
	v59 =	vshll.u32 v1, $0x7  }
0x100: {  	v60 =	vshll.u32 v2, $0x3;
	v3 =	vand.u32 $0xFFFFE000, v3;
	v4 =	vand.u32 $0x380, v59  }
0x101: {  	v61 =	vld [tilespmem:s0+$0x0];
	v62 =	vand.u32 $0x7F, v2;
	v5 =	vand.u32 $0xFFFFFC00, v60;
	v3 =	vor.u32 v3, v4  }
0x102: {  	v2 =	vand.u32 $0xFFFFFC00, v2;
	v63 =	vadd.s32 $0xFFFFC000, v5;
	v3 =	vor.u32 v62, v3  }
0x103: {  	vm15 =	veq.s32 v2, $0x800;
	v2 =	vor.u32 v63, v3  }
0x104: {  	s6 =	simm.s32 $0x2800;
	v2 =	vnsel vm15, $0x0, v2  }
0x105: {  	s16 =	simm.s32 $0x10;
	s10 =	simm.s32 $0x20;
	s1 =	simm.s32 $0x3000;
	v1 =	vnsel vm15, $0x0, v1;
	[tilespmem:s6+$0x0] =	vst v2  }
0x106: {  	s15 =	sand.u32 $0x70, s16;
	s17 =	sand.u32 $0xF00, s10;
	s8 =	simm.s32 $0x3800;
	v2 =	vnsel vm15, $0x0, v61;
	[tilespmem:s1+$0x0] =	vst v1  }
0x107: {  	s16 =	sor.u32 s15, s17;
	[tilespmem:s8+$0x0] =	vst v2  }
0x108: {  	s15 =	simm.s32 $0x20;
	v1 =	vld [tilespmem:s16+$0x1000]  }
.LBB2_6:
0x109: {  	p1 =	sne.s32 s15, $0x7F0;
	v2 =	vld [tilespmem:s16+$0x1080];
	s0 =	sadd.s32 $0x10, s0  }
0x10a: {  	v3 =	vld [tilespmem:s0+$0x0];
	_ =	sdelay $0x2  }
0x10b: {  	v1 =	vtrunc.f32 v1  }
0x10c: {  	v1 =	vcvt.f32.s32 v1;
	v2 =	vtrunc.f32 v2  }
0x10d: {  	v2 =	vcvt.f32.s32 v2  }
0x10e: {  	v4 =	vshll.u32 v1, $0xA;
	v5 =	vshll.u32 v1, $0x7  }
0x10f: {  	v4 =	vand.u32 $0xFFFFE000, v4;
	v6 =	vshll.u32 v2, $0x3;
	v5 =	vand.u32 $0x380, v5  }
0x110: {  	v7 =	vand.u32 $0x7F, v2;
	v6 =	vand.u32 $0xFFFFFC00, v6;
	v4 =	vor.u32 v4, v5  }
0x111: {  	v2 =	vand.u32 $0xFFFFFC00, v2;
	v5 =	vadd.s32 $0xFFFFC000, v6;
	v4 =	vor.u32 v7, v4  }
0x112: {  	vm0 =	veq.s32 v2, $0x800;
	v2 =	vor.u32 v5, v4  }
.Ltmp2:
0x113: {  	s6 =	sadd.s32 $0x10, s6;
	v3 =	vnsel vm0, $0x0, v3;
	v2 =	vnsel vm0, $0x0, v2;
	(pc) =	sbr.rel @p1 .LBB2_6-.Ltmp2, $4  }
0x114: {  	s10 =	sadd.s32 $0x20, s10;
	s1 =	sadd.s32 $0x10, s1;
	v1 =	vnsel vm0, $0x0, v1;
	[tilespmem:s6+$0x0] =	vst v2  }
0x115: {  	s16 =	sand.u32 $0x70, s15;
	s8 =	sadd.s32 $0x10, s8;
	s17 =	sand.u32 $0xF00, s10;
	[tilespmem:s1+$0x0] =	vst v1  }
0x116: {  	s16 =	sor.u32 s16, s17;
	[tilespmem:s8+$0x0] =	vst v3  }
0x117: {  	s15 =	sadd.s32 $0x10, s15;
	v1 =	vld [tilespmem:s16+$0x1000]  }
0x118: {  	v2 =	vld [tilespmem:s16+$0x1080];
	_ =	sdelay $0x3  }
0x119: {  	v1 =	vtrunc.f32 v1  }
0x11a: {  	v1 =	vcvt.f32.s32 v1;
	v2 =	vtrunc.f32 v2  }
0x11b: {  	v2 =	vcvt.f32.s32 v2  }
0x11c: {  	v3 =	vshll.u32 v1, $0xA;
	v4 =	vshll.u32 v1, $0x7  }
0x11d: {  	s0 =	sadd.s32 $0x10, s0;
	v3 =	vand.u32 $0xFFFFE000, v3;
	v5 =	vshll.u32 v2, $0x3;
	v4 =	vand.u32 $0x380, v4  }
0x11e: {  	v6 =	vld [tilespmem:s0+$0x0];
	v7 =	vand.u32 $0x7F, v2;
	v5 =	vand.u32 $0xFFFFFC00, v5;
	v3 =	vor.u32 v3, v4  }
0x11f: {  	v2 =	vand.u32 $0xFFFFFC00, v2;
	v63 =	vadd.s32 $0xFFFFC000, v5;
	v3 =	vor.u32 v7, v3  }
0x120: {  	vm0 =	veq.s32 v2, $0x800;
	v2 =	vor.u32 v63, v3  }
0x121: {  	s17 =	sadd.s32 $0x10, s6;
	v2 =	vnsel vm0, $0x0, v2  }
0x122: {  	s6 =	sadd.s32 $0x10, s1;
	v1 =	vnsel vm0, $0x0, v1;
	[tilespmem:s17+$0x0] =	vst v2  }
0x123: {  	s8 =	sadd.s32 $0x10, s8;
	v2 =	vnsel vm0, $0x0, v6;
	[tilespmem:s6+$0x0] =	vst v1  }
0x124: {  	[tilespmem:s8+$0x0] =	vst v2  }
0x125: {  	s10 =	simm.s32 $0x2800;
	[bflag:$0x0] =	sbarrier.arrive $0xFFFF  }
0x126: {  	[spmem:s18] =	stream.indirect.scatter.add.f32 [tilespmem:s9], [sflag:$0x1], $0x1, s10, s7, $0xb8;
	[tilespmem:$0x14040] =	vst v63  }
0x127: {  	_ =	swait.ge [sflag:s31], $0x800  }
0x128: {  	[sflag:s31] =	ssyncset.done $0x0  }
0x129: {  	s16 =	simm.s32 $0x3000;
	[sflag:s31] =	ssyncadd.s32 $0xFFFFF800  }
0x12a: {  	[spmem:s2] =	stream.indirect.scatter.add.f32 [tilespmem:s9], [sflag:$0x1], $0x1, s16, s7, $0xb8;
	[tilespmem:$0x14040] =	vst v63  }
0x12b: {  	_ =	swait.ge [sflag:s31], $0x800  }
0x12c: {  	[sflag:s31] =	ssyncset.done $0x0  }
0x12d: {  	[sflag:s31] =	ssyncadd.s32 $0xFFFFF800  }
0x12e: {  	[bflag:$0x0] =	sbarrier.arrive $0xFFFF  }
0x12f: {  	s17 =	rddreg [dreg:$0xb]  }
0x130: {  	[hbm:s17], [sflag:s12] =	dma.local [spmem:s14], $0x2000  }
0x131: {  	_ =	swait.ge [sflag:s31], $0x2000  }
0x132: {  	s1 =	simm.s32 @!p0 $0x40;
	s0 =	simm.s32 @!p0 $0x1;
	[sflag:s31] =	ssyncset.done $0x0  }
0x133: {  	s6 =	simm.s32 @!p0 $0x10;
	s8 =	rddreg [dreg:$0xc];
	[sflag:s31] =	ssyncadd.s32 $0xFFFFE000  }
0x134: {  	[hbm:s8@s1], [sflag:s12] =	dma.strided @!p0 [spmem:s13@s6], $0x80, s0, $0x10   }
0x135: {  	_ =	swait.ge @!p0 [sflag:s0], $0x80  }
0x136: {  	s15 =	smov.u32 s18;
	s11 =	sadd.s32 $0x1, s11;
	s18 =	rddreg [dreg:$0xd]  }
0x137: {  	p1 =	sne.s32 s11, s18  }
.Ltmp3:
0x138: {  	_ = 	snop;
	(pc) =	sbr.rel @p1 .LBB2_1-.Ltmp3, $3  }
0x139: {  	_ =	sdelay $0x1  }
0x13a: {  	[sflag:s0] =	ssyncset.done @!p0 $0x0  }
0x13b: {  	s16 =	smov.u32 s19;
	s17 =	smov.u32 s20;
	[sflag:s0] =	ssyncadd.s32 @!p0 $0xFFFFFF80  }
0x13c: {  	_ =	sfence.sel $0x180000  }
0x13d: {  	[bflag:$0x0] =	sbarrier.arrive $0xFFFF  }
0x13e: {  	_ =	strace $0x90000047  }
0x13f: {  	[bflag:$0x2] =	sbarrier.arrive $0xFFFF  }
0x140: {  	s0 =	rddreg [dreg:$0x4]  }
0x141: {  	s0 =	sadd.s32 @!p0 $0x100000, s0  }
0x142: {  	[sflag:s0] =	ssyncadd.tile.s32 @!p0 $0x1;
	_ =	shalt  }
.Lfunc_end2:
_tile_overlayer_lowered:
.L_overlay_start_2:
0x143: {  	(tag) =	ssettag $0x2  }
0x144: {  	s0 =	rddreg [dreg:$0x0];
	s2 =	stileid.u32  }
0x145: {  	s1 =	rddreg [dreg:$0x1];
	p0 =	sne.s32 s2, $0x0  }
0x146: {  	s3 =	rddreg [dreg:$0x2];
	[bflag:$0x3] =	sbarrier.arrive $0xFFFF;
	s2 =	simm.s32 @!p0 $0x1C01  }
0x147: {  	[timem:s3], [sflag:s2] =	dma.local @!p0 [hbm:s0], s1  }
0x148: {  	s0 =	simm.s32 @!p0 $0x1  }
0x149: {  	_ =	swait.ge @!p0 [sflag:s0], s1  }
0x14a: {  	s1 =	ssub.s32 @!p0 $0x0, s1;
	[sflag:s0] =	ssyncset.done @!p0 $0x0  }
0x14b: {  	[sflag:s0] =	ssyncadd.s32 @!p0 s1  }
0x14c: {  	[bflag:$0x3] =	sbarrier.arrive $0xFFFF  }
0x14d: {  	_ =	shalt  }

</sc_bundles>
